<compile_context>
chip_gen: v7x
topology: tpu7x:2x2x1
jax: 0.10.2.dev20260603
libtpu: 0.0.44.dev20260713+nightly
codegen_flags: <defaults>
</compile_context>

<pallas_src>
import functools

import jax
import jax.numpy as jnp
from jax import lax
from jax.experimental import pallas as pl
from jax.experimental.pallas import tpu as pltpu
from jax.experimental.pallas import tpu_sc as plsc

N = 10000
E = 320000
D_IN = 128
D_HID = 256
D_OUT = 64

NC = 2
NS = 16
CHUNK = 80
ROWS = E // CHUNK
CPW = ROWS // (NC * NS)
N_PAD = 10240
NBUF = 4
WIN = 25
HPT = N_PAD // NS
RPT = N // NS

_mesh = plsc.VectorSubcoreMesh(core_axis_name="c", subcore_axis_name="s")


@functools.partial(
    pl.kernel,
    out_type=(
        jax.ShapeDtypeStruct((NC, N_PAD), jnp.float32),
        jax.ShapeDtypeStruct((NC, N_PAD), jnp.float32),
    ),
    mesh=_mesh,
    compiler_params=pltpu.CompilerParams(use_tc_tiling_on_sc=False),
    scratch_types=[
        pltpu.VMEM((CPW, CHUNK), jnp.int32),
        pltpu.VMEM((CPW, CHUNK), jnp.int32),
        pltpu.VMEM((CHUNK,), jnp.float32),
        pltpu.VMEM_SHARED((N_PAD,), jnp.float32),
        pltpu.VMEM_SHARED((N_PAD,), jnp.float32),
        pltpu.SemaphoreType.DMA,
        pltpu.SemaphoreType.DMA,
    ],
)
def _deg_kernel(ei_hbm, zeros_hbm, osrc, odst,
                sidx, didx, ones_v, hs_sh, hd_sh, sem, sem2):
    c = lax.axis_index("c")
    s = lax.axis_index("s")

    @pl.loop(0, CHUNK // 16)
    def _(k):
        ones_v[pl.ds(k * 16, 16)] = jnp.ones((16,), jnp.float32)

    sl = pl.ds(s * HPT, HPT)
    pltpu.sync_copy(zeros_hbm.at[sl], hs_sh.at[sl])
    pltpu.sync_copy(zeros_hbm.at[sl], hd_sh.at[sl])

    base = (c * NS + s) * CPW
    pltpu.sync_copy(ei_hbm.at[0, pl.ds(base, CPW)], sidx)
    pltpu.sync_copy(ei_hbm.at[1, pl.ds(base, CPW)], didx)
    plsc.subcore_barrier()

    @pl.loop(0, CPW)
    def _(j):
        pltpu.sync_copy(ones_v, hs_sh.at[sidx.at[j]], add=True)
        pltpu.sync_copy(ones_v, hd_sh.at[didx.at[j]], add=True)

    plsc.subcore_barrier()
    pltpu.sync_copy(hs_sh.at[sl], osrc.at[c, sl])
    pltpu.sync_copy(hd_sh.at[sl], odst.at[c, sl])


def _make_agg(d, nbuf):
    @functools.partial(
        pl.kernel,
        out_type=jax.ShapeDtypeStruct((NC, N, 128), jnp.float32),
        mesh=_mesh,
        compiler_params=pltpu.CompilerParams(use_tc_tiling_on_sc=False),
        scratch_types=[
            pltpu.VMEM((2, WIN, CHUNK), jnp.int32),
            pltpu.VMEM((2, WIN, CHUNK), jnp.int32),
            pltpu.VMEM((nbuf, CHUNK, d), jnp.float32),
            pltpu.VMEM_SHARED((N, d), jnp.float32),
            pltpu.SemaphoreType.DMA,
            pltpu.SemaphoreType.DMA,
            pltpu.SemaphoreType.DMA,
        ],
    )
    def agg_kernel(table_hbm, ei_hbm, zeros_hbm, out_hbm,
                   sidx, didx, bufs, acc_sh, gsem, ssem, isem):
        c = lax.axis_index("c")
        s = lax.axis_index("s")

        rs = pl.ds(s * RPT, RPT)
        z = pltpu.async_copy(zeros_hbm, acc_sh.at[rs], ssem)

        base = (c * NS + s) * CPW

        def i_issue(w):
            wb = lax.rem(w, 2)
            pltpu.async_copy(
                ei_hbm.at[0, pl.ds(base + w * WIN, WIN)], sidx.at[wb], isem)
            pltpu.async_copy(
                ei_hbm.at[1, pl.ds(base + w * WIN, WIN)], didx.at[wb], isem)

        def i_wait(w):
            wb = lax.rem(w, 2)
            pltpu.make_async_copy(
                ei_hbm.at[0, pl.ds(base + w * WIN, WIN)], sidx.at[wb],
                isem).wait()
            pltpu.make_async_copy(
                ei_hbm.at[1, pl.ds(base + w * WIN, WIN)], didx.at[wb],
                isem).wait()

        i_issue(0)
        i_wait(0)
        i_issue(1)
        z.wait()
        plsc.subcore_barrier()

        def s_at(j):
            return sidx.at[lax.rem(j // WIN, 2), lax.rem(j, WIN)]

        def d_at(j):
            return didx.at[lax.rem(j // WIN, 2), lax.rem(j, WIN)]

        @pl.loop(0, nbuf - 1)
        def _(k):
            pltpu.async_copy(table_hbm.at[s_at(k)], bufs.at[k], gsem)

        @pl.loop(0, CPW)
        def _(j):
            b = lax.rem(j, nbuf)
            pltpu.make_async_copy(
                table_hbm.at[s_at(j)], bufs.at[b], gsem).wait()

            @pl.when(j >= 1)
            def _():
                bp = lax.rem(j + nbuf - 1, nbuf)
                pltpu.make_async_copy(
                    bufs.at[bp], acc_sh.at[d_at(j - 1)], ssem).wait()

            pltpu.async_copy(bufs.at[b], acc_sh.at[d_at(j)], ssem,
                             add=True)

            @pl.when(j + nbuf - 1 < CPW)
            def _():
                pltpu.async_copy(table_hbm.at[s_at(j + nbuf - 1)],
                                 bufs.at[lax.rem(j + nbuf - 1, nbuf)], gsem)

            w = j // WIN
            r = lax.rem(j, WIN)

            @pl.when(jnp.logical_and(r == 1,
                                     jnp.logical_and(w >= 1,
                                                     w + 1 < CPW // WIN)))
            def _():
                i_issue(w + 1)

            @pl.when(jnp.logical_and(r == WIN - nbuf,
                                     w + 1 < CPW // WIN))
            def _():
                i_wait(w + 1)

        pltpu.make_async_copy(
            bufs.at[lax.rem(CPW - 1, nbuf)],
            acc_sh.at[d_at(CPW - 1)], ssem).wait()

        plsc.subcore_barrier()
        if d == 128:
            pltpu.sync_copy(acc_sh.at[rs], out_hbm.at[c, rs])
        else:
            pltpu.sync_copy(acc_sh.at[rs], out_hbm.at[c, rs, pl.ds(0, d)])

    return agg_kernel


_agg128 = _make_agg(D_IN, NBUF)
_agg64 = _make_agg(D_OUT, 6)


def _tc1_body(x_ref, sp_ref, dp_ref, xs_ref, ns_ref, nd_ref):
    sdeg = sp_ref[0] + sp_ref[1]
    ddeg = dp_ref[0] + dp_ref[1]
    ns = jnp.where(sdeg > 0, lax.rsqrt(jnp.maximum(sdeg, 1.0)), 0.0)
    nd = jnp.where(ddeg > 0, lax.rsqrt(jnp.maximum(ddeg, 1.0)), 0.0)
    ns_b = jnp.broadcast_to(ns.reshape(N_PAD, 1)[:N], (N, D_IN))
    nd_b = jnp.broadcast_to(nd.reshape(N_PAD, 1)[:N], (N, D_IN))
    ns_ref[...] = ns_b
    nd_ref[...] = nd_b
    xs_ref[...] = x_ref[...] * ns_b


_tc1 = pl.pallas_call(
    _tc1_body,
    out_shape=(
        jax.ShapeDtypeStruct((N, D_IN), jnp.float32),
        jax.ShapeDtypeStruct((N, D_IN), jnp.float32),
        jax.ShapeDtypeStruct((N, D_IN), jnp.float32),
    ),
)


def _tc2_body(a1_ref, nd_ref, ns_ref, w1_ref, b1_ref, w2_ref, hs2_ref):
    agg = a1_ref[0] + a1_ref[1]
    g = agg * nd_ref[...]
    h = jnp.dot(g, w1_ref[...], preferred_element_type=jnp.float32)
    h = h + b1_ref[...]
    h2 = jnp.dot(h, w2_ref[...], preferred_element_type=jnp.float32)
    hs2_ref[...] = h2 * ns_ref[:, :D_OUT]


_tc2 = pl.pallas_call(
    _tc2_body,
    out_shape=jax.ShapeDtypeStruct((N, D_OUT), jnp.float32),
)


def _tc3_body(a2_ref, nd_ref, b2_ref, out_ref):
    out_ref[...] = ((a2_ref[0, :, :D_OUT] + a2_ref[1, :, :D_OUT])
                    * nd_ref[:, :D_OUT] + b2_ref[...])


_tc3 = pl.pallas_call(
    _tc3_body,
    out_shape=jax.ShapeDtypeStruct((N, D_OUT), jnp.float32),
)


def kernel(x, edge_index, W1, b1, W2, b2):
    ei3 = edge_index.reshape(2, ROWS, CHUNK)
    zh = jnp.zeros((N_PAD,), jnp.float32)
    z1 = jnp.zeros((RPT, D_IN), jnp.float32)
    z2 = jnp.zeros((RPT, D_OUT), jnp.float32)

    sp, dp = _deg_kernel(ei3, zh)
    xs, ns, nd = _tc1(x, sp, dp)
    a1 = _agg128(xs, ei3, z1)
    hs2 = _tc2(a1, nd, ns, W1, b1.reshape(1, D_HID), W2)
    a2 = _agg64(hs2, ei3, z2)
    return _tc3(a2, nd, b2.reshape(1, D_OUT))

# --- scband reference (transcript-rebuilt; emitter-appended) ---
"""Pipeline reference for scband-gcn-66417374265637 (READ-ONLY COPY).

The authoritative reference and input builder live on the scoring server;
editing this copy changes nothing except your own understanding.
"""

import jax, jax.numpy as jnp
import numpy as np

N_NODES = 10000
N_EDGES = 320000
D_IN = 128
D_HIDDEN = 256
D_OUT = 64


def _graph_conv(x, edge_index, W, b, n_nodes):
    # DGL GraphConv with norm='both':
    #   h = D_dst^{-1/2} * A * (D_src^{-1/2} * x) @ W + b
    src = edge_index[0]
    dst = edge_index[1]
    out_deg = jnp.bincount(src, length=n_nodes).astype(x.dtype)
    in_deg = jnp.bincount(dst, length=n_nodes).astype(x.dtype)
    norm_src = jnp.where(out_deg > 0, jax.lax.rsqrt(jnp.maximum(out_deg, 1.0)), 0.0)
    norm_dst = jnp.where(in_deg > 0, jax.lax.rsqrt(jnp.maximum(in_deg, 1.0)), 0.0)
    h = x @ W                                   # dense projection (weight before aggregation)
    m = h[src] * norm_src[src][:, None]         # gather + src normalization
    agg = jax.ops.segment_sum(m, dst, num_segments=n_nodes)  # scatter-add by dst
    return agg * norm_dst[:, None] + b


def setup_inputs(seed: int = 0) -> dict:
    key = jax.random.key(seed)
    k1, k2, k3, k4, k5, k6 = jax.random.split(key, 6)
    x = jax.random.normal(k1, (N_NODES, D_IN), dtype=jnp.float32)
    edge_index = jax.random.randint(k2, (2, N_EDGES), 0, N_NODES)
    W1 = jax.random.normal(k3, (D_IN, D_HIDDEN), dtype=jnp.float32) * (1.0 / np.sqrt(D_IN))
    b1 = jnp.zeros((D_HIDDEN,), dtype=jnp.float32)
    W2 = jax.random.normal(k4, (D_HIDDEN, D_OUT), dtype=jnp.float32) * (1.0 / np.sqrt(D_HIDDEN))
    b2 = jnp.zeros((D_OUT,), dtype=jnp.float32)
    return {"x": x, "edge_index": edge_index, "W1": W1, "b1": b1, "W2": W2, "b2": b2}


def reference(x, edge_index, W1, b1, W2, b2):
    n_nodes = x.shape[0]
    h = _graph_conv(x, edge_index, W1, b1, n_nodes)
    out = _graph_conv(h, edge_index, W2, b2, n_nodes)
    return out

if __name__ == "__main__":
    import jax
    _d = setup_inputs()
    print(jax.jit(kernel)(*tuple(_d.values())))

</pallas_src>

<mosaic_0001>
#map = affine_map<(d0, d1) -> (0, 0)>
#map1 = affine_map<(d0, d1) -> (0, 0, 0)>
module attributes {stable_mosaic.version = 14 : i64} {
  func.func @agg_kernel(%arg0: i32, %arg1: i32, %arg2: memref<10000x64xf32, #tpu.memory_space<hbm>>, %arg3: memref<2x4000x80xi32, #tpu.memory_space<hbm>>, %arg4: memref<625x64xf32, #tpu.memory_space<hbm>>, %arg5: memref<2x10000x128xf32, #tpu.memory_space<hbm>>, %arg6: memref<2x25x80xi32, #tpu.memory_space<vmem>>, %arg7: memref<2x25x80xi32, #tpu.memory_space<vmem>>, %arg8: memref<6x80x64xf32, #tpu.memory_space<vmem>>, %arg9: memref<10000x64xf32, #tpu.memory_space<vmem_shared>>, %arg10: memref<!tpu.dma_semaphore, #tpu.memory_space<semaphore_mem>>, %arg11: memref<!tpu.dma_semaphore, #tpu.memory_space<semaphore_mem>>, %arg12: memref<!tpu.dma_semaphore, #tpu.memory_space<semaphore_mem>>) attributes {dimension_semantics = [#tpu.dimension_semantics<core_parallel>, #tpu.dimension_semantics<subcore_parallel>], iteration_bounds = array<i64: 2, 16>, scalar_prefetch = 0 : i64, scratch_operands = 7 : i64, tpu.core_type = #tpu.core_type<sc_vector_subcore>, window_params = [{transform_indices = #map}, {transform_indices = #map1}, {transform_indices = #map}, {transform_indices = #map1}]} {
    %mul3A = arith.constant 625 : i32
    %mul3A_0 = arith.muli %arg1, %mul3A : i32
    %dma_start3A = arith.constant 0 : i32
    %dma_start3A_1 = tpu.memref_slice %arg9[%mul3A_0, %dma_start3A] : memref<10000x64xf32, #tpu.memory_space<vmem_shared>> -> memref<625x64xf32, #tpu.memory_space<vmem_shared>>
    tpu.enqueue_dma source(%arg4 : memref<625x64xf32, #tpu.memory_space<hbm>>) target(%dma_start3A_1 : memref<625x64xf32, #tpu.memory_space<vmem_shared>>) target_semaphore(%arg11 : memref<!tpu.dma_semaphore, #tpu.memory_space<semaphore_mem>>)
    %mul3A_2 = arith.constant 16 : i32
    %mul3A_3 = arith.muli %arg0, %mul3A_2 : i32
    %add3A = arith.addi %mul3A_3, %arg1 : i32
    %mul3A_4 = arith.constant 125 : i32
    %mul3A_5 = arith.muli %add3A, %mul3A_4 : i32
    %rem3A = arith.constant 0 : i32
    %rem3A_6 = arith.constant 2 : i32
    %rem3A_7 = arith.remsi %rem3A, %rem3A_6 : i32
    %add3A_8 = arith.constant 0 : i32
    %add3A_9 = arith.addi %mul3A_5, %add3A_8 : i32
    %dma_start3A_10 = arith.constant 0 : i32
    %dma_start3A_11 = arith.constant 0 : i32
    %dma_start3A_12 = arith.constant 0 : i32
    %dma_start3A_13 = tpu.memref_slice %arg6[%rem3A_7, %dma_start3A_11, %dma_start3A_12] : memref<2x25x80xi32, #tpu.memory_space<vmem>> -> memref<1x25x80xi32, #tpu.memory_space<vmem>>
    %dma_start3A_14 = tpu.memref_squeeze %dma_start3A_13 : memref<1x25x80xi32, #tpu.memory_space<vmem>> -> memref<25x80xi32, #tpu.memory_space<vmem>>
    %dma_start3A_15 = arith.constant 0 : i32
    %dma_start3A_16 = tpu.memref_slice %arg3[%dma_start3A_10, %add3A_9, %dma_start3A_15] : memref<2x4000x80xi32, #tpu.memory_space<hbm>> -> memref<1x25x80xi32, #tpu.memory_space<hbm>>
    %dma_start3A_17 = tpu.memref_squeeze %dma_start3A_16 : memref<1x25x80xi32, #tpu.memory_space<hbm>> -> memref<25x80xi32, #tpu.memory_space<hbm>>
    %dma_start3A_18 = arith.constant 0 : i32
    %dma_start3A_19 = arith.constant 0 : i32
    %dma_start3A_20 = tpu.memref_slice %arg6[%rem3A_7, %dma_start3A_18, %dma_start3A_19] : memref<2x25x80xi32, #tpu.memory_space<vmem>> -> memref<1x25x80xi32, #tpu.memory_space<vmem>>
    %dma_start3A_21 = tpu.memref_squeeze %dma_start3A_20 : memref<1x25x80xi32, #tpu.memory_space<vmem>> -> memref<25x80xi32, #tpu.memory_space<vmem>>
    %dma_start3A_22 = arith.constant 0 : i32
    %dma_start3A_23 = tpu.memref_slice %arg3[%dma_start3A_10, %add3A_9, %dma_start3A_22] : memref<2x4000x80xi32, #tpu.memory_space<hbm>> -> memref<1x25x80xi32, #tpu.memory_space<hbm>>
    %dma_start3A_24 = tpu.memref_squeeze %dma_start3A_23 : memref<1x25x80xi32, #tpu.memory_space<hbm>> -> memref<25x80xi32, #tpu.memory_space<hbm>>
    tpu.enqueue_dma source(%dma_start3A_24 : memref<25x80xi32, #tpu.memory_space<hbm>>) target(%dma_start3A_21 : memref<25x80xi32, #tpu.memory_space<vmem>>) target_semaphore(%arg12 : memref<!tpu.dma_semaphore, #tpu.memory_space<semaphore_mem>>)
    %add3A_25 = arith.constant 0 : i32
    %add3A_26 = arith.addi %mul3A_5, %add3A_25 : i32
    %dma_start3A_27 = arith.constant 1 : i32
    %dma_start3A_28 = arith.constant 0 : i32
    %dma_start3A_29 = arith.constant 0 : i32
    %dma_start3A_30 = tpu.memref_slice %arg7[%rem3A_7, %dma_start3A_28, %dma_start3A_29] : memref<2x25x80xi32, #tpu.memory_space<vmem>> -> memref<1x25x80xi32, #tpu.memory_space<vmem>>
    %dma_start3A_31 = tpu.memref_squeeze %dma_start3A_30 : memref<1x25x80xi32, #tpu.memory_space<vmem>> -> memref<25x80xi32, #tpu.memory_space<vmem>>
    %dma_start3A_32 = arith.constant 0 : i32
    %dma_start3A_33 = tpu.memref_slice %arg3[%dma_start3A_27, %add3A_26, %dma_start3A_32] : memref<2x4000x80xi32, #tpu.memory_space<hbm>> -> memref<1x25x80xi32, #tpu.memory_space<hbm>>
    %dma_start3A_34 = tpu.memref_squeeze %dma_start3A_33 : memref<1x25x80xi32, #tpu.memory_space<hbm>> -> memref<25x80xi32, #tpu.memory_space<hbm>>
    %dma_start3A_35 = arith.constant 0 : i32
    %dma_start3A_36 = arith.constant 0 : i32
    %dma_start3A_37 = tpu.memref_slice %arg7[%rem3A_7, %dma_start3A_35, %dma_start3A_36] : memref<2x25x80xi32, #tpu.memory_space<vmem>> -> memref<1x25x80xi32, #tpu.memory_space<vmem>>
    %dma_start3A_38 = tpu.memref_squeeze %dma_start3A_37 : memref<1x25x80xi32, #tpu.memory_space<vmem>> -> memref<25x80xi32, #tpu.memory_space<vmem>>
    %dma_start3A_39 = arith.constant 0 : i32
    %dma_start3A_40 = tpu.memref_slice %arg3[%dma_start3A_27, %add3A_26, %dma_start3A_39] : memref<2x4000x80xi32, #tpu.memory_space<hbm>> -> memref<1x25x80xi32, #tpu.memory_space<hbm>>
    %dma_start3A_41 = tpu.memref_squeeze %dma_start3A_40 : memref<1x25x80xi32, #tpu.memory_space<hbm>> -> memref<25x80xi32, #tpu.memory_space<hbm>>
    tpu.enqueue_dma source(%dma_start3A_41 : memref<25x80xi32, #tpu.memory_space<hbm>>) target(%dma_start3A_38 : memref<25x80xi32, #tpu.memory_space<vmem>>) target_semaphore(%arg12 : memref<!tpu.dma_semaphore, #tpu.memory_space<semaphore_mem>>)
    %rem3A_42 = arith.constant 0 : i32
    %rem3A_43 = arith.constant 2 : i32
    %rem3A_44 = arith.remsi %rem3A_42, %rem3A_43 : i32
    %add3A_45 = arith.constant 0 : i32
    %add3A_46 = arith.addi %mul3A_5, %add3A_45 : i32
    %dma_wait3A = arith.constant 0 : i32
    %dma_wait3A_47 = arith.constant 0 : i32
    %dma_wait3A_48 = arith.constant 0 : i32
    %dma_wait3A_49 = tpu.memref_slice %arg6[%rem3A_44, %dma_wait3A_47, %dma_wait3A_48] : memref<2x25x80xi32, #tpu.memory_space<vmem>> -> memref<1x25x80xi32, #tpu.memory_space<vmem>>
    %dma_wait3A_50 = tpu.memref_squeeze %dma_wait3A_49 : memref<1x25x80xi32, #tpu.memory_space<vmem>> -> memref<25x80xi32, #tpu.memory_space<vmem>>
    %dma_wait3A_51 = arith.constant 0 : i32
    %dma_wait3A_52 = tpu.memref_slice %arg3[%dma_wait3A, %add3A_46, %dma_wait3A_51] : memref<2x4000x80xi32, #tpu.memory_space<hbm>> -> memref<1x25x80xi32, #tpu.memory_space<hbm>>
    %dma_wait3A_53 = tpu.memref_squeeze %dma_wait3A_52 : memref<1x25x80xi32, #tpu.memory_space<hbm>> -> memref<25x80xi32, #tpu.memory_space<hbm>>
    %dma_wait3A_54 = arith.constant 0 : i32
    %dma_wait3A_55 = arith.constant 0 : i32
    %dma_wait3A_56 = tpu.memref_slice %arg6[%rem3A_44, %dma_wait3A_54, %dma_wait3A_55] : memref<2x25x80xi32, #tpu.memory_space<vmem>> -> memref<1x25x80xi32, #tpu.memory_space<vmem>>
    %dma_wait3A_57 = tpu.memref_squeeze %dma_wait3A_56 : memref<1x25x80xi32, #tpu.memory_space<vmem>> -> memref<25x80xi32, #tpu.memory_space<vmem>>
    %dma_wait3A_58 = arith.constant 0 : i32
    %dma_wait3A_59 = tpu.memref_slice %arg3[%dma_wait3A, %add3A_46, %dma_wait3A_58] : memref<2x4000x80xi32, #tpu.memory_space<hbm>> -> memref<1x25x80xi32, #tpu.memory_space<hbm>>
    %dma_wait3A_60 = tpu.memref_squeeze %dma_wait3A_59 : memref<1x25x80xi32, #tpu.memory_space<hbm>> -> memref<25x80xi32, #tpu.memory_space<hbm>>
    tpu.wait_dma2 semaphore(%arg12 : memref<!tpu.dma_semaphore, #tpu.memory_space<semaphore_mem>>) src(%dma_wait3A_60 : memref<25x80xi32, #tpu.memory_space<hbm>>) dst(%dma_wait3A_57 : memref<25x80xi32, #tpu.memory_space<vmem>>)
    %add3A_61 = arith.constant 0 : i32
    %add3A_62 = arith.addi %mul3A_5, %add3A_61 : i32
    %dma_wait3A_63 = arith.constant 1 : i32
    %dma_wait3A_64 = arith.constant 0 : i32
    %dma_wait3A_65 = arith.constant 0 : i32
    %dma_wait3A_66 = tpu.memref_slice %arg7[%rem3A_44, %dma_wait3A_64, %dma_wait3A_65] : memref<2x25x80xi32, #tpu.memory_space<vmem>> -> memref<1x25x80xi32, #tpu.memory_space<vmem>>
    %dma_wait3A_67 = tpu.memref_squeeze %dma_wait3A_66 : memref<1x25x80xi32, #tpu.memory_space<vmem>> -> memref<25x80xi32, #tpu.memory_space<vmem>>
    %dma_wait3A_68 = arith.constant 0 : i32
    %dma_wait3A_69 = tpu.memref_slice %arg3[%dma_wait3A_63, %add3A_62, %dma_wait3A_68] : memref<2x4000x80xi32, #tpu.memory_space<hbm>> -> memref<1x25x80xi32, #tpu.memory_space<hbm>>
    %dma_wait3A_70 = tpu.memref_squeeze %dma_wait3A_69 : memref<1x25x80xi32, #tpu.memory_space<hbm>> -> memref<25x80xi32, #tpu.memory_space<hbm>>
    %dma_wait3A_71 = arith.constant 0 : i32
    %dma_wait3A_72 = arith.constant 0 : i32
    %dma_wait3A_73 = tpu.memref_slice %arg7[%rem3A_44, %dma_wait3A_71, %dma_wait3A_72] : memref<2x25x80xi32, #tpu.memory_space<vmem>> -> memref<1x25x80xi32, #tpu.memory_space<vmem>>
    %dma_wait3A_74 = tpu.memref_squeeze %dma_wait3A_73 : memref<1x25x80xi32, #tpu.memory_space<vmem>> -> memref<25x80xi32, #tpu.memory_space<vmem>>
    %dma_wait3A_75 = arith.constant 0 : i32
    %dma_wait3A_76 = tpu.memref_slice %arg3[%dma_wait3A_63, %add3A_62, %dma_wait3A_75] : memref<2x4000x80xi32, #tpu.memory_space<hbm>> -> memref<1x25x80xi32, #tpu.memory_space<hbm>>
    %dma_wait3A_77 = tpu.memref_squeeze %dma_wait3A_76 : memref<1x25x80xi32, #tpu.memory_space<hbm>> -> memref<25x80xi32, #tpu.memory_space<hbm>>
    tpu.wait_dma2 semaphore(%arg12 : memref<!tpu.dma_semaphore, #tpu.memory_space<semaphore_mem>>) src(%dma_wait3A_77 : memref<25x80xi32, #tpu.memory_space<hbm>>) dst(%dma_wait3A_74 : memref<25x80xi32, #tpu.memory_space<vmem>>)
    %rem3A_78 = arith.constant 1 : i32
    %rem3A_79 = arith.constant 2 : i32
    %rem3A_80 = arith.remsi %rem3A_78, %rem3A_79 : i32
    %add3A_81 = arith.constant 25 : i32
    %add3A_82 = arith.addi %mul3A_5, %add3A_81 : i32
    %dma_start3A_83 = arith.constant 0 : i32
    %dma_start3A_84 = arith.constant 0 : i32
    %dma_start3A_85 = arith.constant 0 : i32
    %dma_start3A_86 = tpu.memref_slice %arg6[%rem3A_80, %dma_start3A_84, %dma_start3A_85] : memref<2x25x80xi32, #tpu.memory_space<vmem>> -> memref<1x25x80xi32, #tpu.memory_space<vmem>>
    %dma_start3A_87 = tpu.memref_squeeze %dma_start3A_86 : memref<1x25x80xi32, #tpu.memory_space<vmem>> -> memref<25x80xi32, #tpu.memory_space<vmem>>
    %dma_start3A_88 = arith.constant 0 : i32
    %dma_start3A_89 = tpu.memref_slice %arg3[%dma_start3A_83, %add3A_82, %dma_start3A_88] : memref<2x4000x80xi32, #tpu.memory_space<hbm>> -> memref<1x25x80xi32, #tpu.memory_space<hbm>>
    %dma_start3A_90 = tpu.memref_squeeze %dma_start3A_89 : memref<1x25x80xi32, #tpu.memory_space<hbm>> -> memref<25x80xi32, #tpu.memory_space<hbm>>
    %dma_start3A_91 = arith.constant 0 : i32
    %dma_start3A_92 = arith.constant 0 : i32
    %dma_start3A_93 = tpu.memref_slice %arg6[%rem3A_80, %dma_start3A_91, %dma_start3A_92] : memref<2x25x80xi32, #tpu.memory_space<vmem>> -> memref<1x25x80xi32, #tpu.memory_space<vmem>>
    %dma_start3A_94 = tpu.memref_squeeze %dma_start3A_93 : memref<1x25x80xi32, #tpu.memory_space<vmem>> -> memref<25x80xi32, #tpu.memory_space<vmem>>
    %dma_start3A_95 = arith.constant 0 : i32
    %dma_start3A_96 = tpu.memref_slice %arg3[%dma_start3A_83, %add3A_82, %dma_start3A_95] : memref<2x4000x80xi32, #tpu.memory_space<hbm>> -> memref<1x25x80xi32, #tpu.memory_space<hbm>>
    %dma_start3A_97 = tpu.memref_squeeze %dma_start3A_96 : memref<1x25x80xi32, #tpu.memory_space<hbm>> -> memref<25x80xi32, #tpu.memory_space<hbm>>
    tpu.enqueue_dma source(%dma_start3A_97 : memref<25x80xi32, #tpu.memory_space<hbm>>) target(%dma_start3A_94 : memref<25x80xi32, #tpu.memory_space<vmem>>) target_semaphore(%arg12 : memref<!tpu.dma_semaphore, #tpu.memory_space<semaphore_mem>>)
    %add3A_98 = arith.constant 25 : i32
    %add3A_99 = arith.addi %mul3A_5, %add3A_98 : i32
    %dma_start3A_100 = arith.constant 1 : i32
    %dma_start3A_101 = arith.constant 0 : i32
    %dma_start3A_102 = arith.constant 0 : i32
    %dma_start3A_103 = tpu.memref_slice %arg7[%rem3A_80, %dma_start3A_101, %dma_start3A_102] : memref<2x25x80xi32, #tpu.memory_space<vmem>> -> memref<1x25x80xi32, #tpu.memory_space<vmem>>
    %dma_start3A_104 = tpu.memref_squeeze %dma_start3A_103 : memref<1x25x80xi32, #tpu.memory_space<vmem>> -> memref<25x80xi32, #tpu.memory_space<vmem>>
    %dma_start3A_105 = arith.constant 0 : i32
    %dma_start3A_106 = tpu.memref_slice %arg3[%dma_start3A_100, %add3A_99, %dma_start3A_105] : memref<2x4000x80xi32, #tpu.memory_space<hbm>> -> memref<1x25x80xi32, #tpu.memory_space<hbm>>
    %dma_start3A_107 = tpu.memref_squeeze %dma_start3A_106 : memref<1x25x80xi32, #tpu.memory_space<hbm>> -> memref<25x80xi32, #tpu.memory_space<hbm>>
    %dma_start3A_108 = arith.constant 0 : i32
    %dma_start3A_109 = arith.constant 0 : i32
    %dma_start3A_110 = tpu.memref_slice %arg7[%rem3A_80, %dma_start3A_108, %dma_start3A_109] : memref<2x25x80xi32, #tpu.memory_space<vmem>> -> memref<1x25x80xi32, #tpu.memory_space<vmem>>
    %dma_start3A_111 = tpu.memref_squeeze %dma_start3A_110 : memref<1x25x80xi32, #tpu.memory_space<vmem>> -> memref<25x80xi32, #tpu.memory_space<vmem>>
    %dma_start3A_112 = arith.constant 0 : i32
    %dma_start3A_113 = tpu.memref_slice %arg3[%dma_start3A_100, %add3A_99, %dma_start3A_112] : memref<2x4000x80xi32, #tpu.memory_space<hbm>> -> memref<1x25x80xi32, #tpu.memory_space<hbm>>
    %dma_start3A_114 = tpu.memref_squeeze %dma_start3A_113 : memref<1x25x80xi32, #tpu.memory_space<hbm>> -> memref<25x80xi32, #tpu.memory_space<hbm>>
    tpu.enqueue_dma source(%dma_start3A_114 : memref<25x80xi32, #tpu.memory_space<hbm>>) target(%dma_start3A_111 : memref<25x80xi32, #tpu.memory_space<vmem>>) target_semaphore(%arg12 : memref<!tpu.dma_semaphore, #tpu.memory_space<semaphore_mem>>)
    %dma_wait3A_115 = arith.constant 0 : i32
    %dma_wait3A_116 = tpu.memref_slice %arg9[%mul3A_0, %dma_wait3A_115] : memref<10000x64xf32, #tpu.memory_space<vmem_shared>> -> memref<625x64xf32, #tpu.memory_space<vmem_shared>>
    tpu.wait_dma2 semaphore(%arg11 : memref<!tpu.dma_semaphore, #tpu.memory_space<semaphore_mem>>) src(%arg4 : memref<625x64xf32, #tpu.memory_space<hbm>>) dst(%dma_wait3A_116 : memref<625x64xf32, #tpu.memory_space<vmem_shared>>)
    %barrier3A = arith.constant 0 : index
    tpu.barrier barrier_id(%barrier3A)
    %scan3A = arith.constant 0 : i32
    %scan3A_117 = arith.constant 5 : i32
    %scan3A_118 = arith.addi %scan3A, %scan3A_117 : i32
    %scan3A_119 = arith.constant 1 : i32
    scf.for %scan3A_146 = %scan3A to %scan3A_118 step %scan3A_119  : i32 {
      %mul3A_147 = arith.constant 1 : i32
      %mul3A_148 = arith.muli %scan3A_146, %mul3A_147 : i32
      %add3A_149 = arith.constant 0 : i32
      %add3A_150 = arith.addi %add3A_149, %mul3A_148 : i32
      %jit3A = arith.constant 25 : i32
      %div3A = arith.divsi %add3A_150, %jit3A : i32
      %sign3A = arith.constant 0 : i32
      %sign3A_151 = arith.cmpi sgt, %add3A_150, %sign3A : i32
      %sign3A_152 = arith.extui %sign3A_151 : i1 to i32
      %sign3A_153 = arith.constant 0 : i32
      %sign3A_154 = arith.cmpi slt, %add3A_150, %sign3A_153 : i32
      %sign3A_155 = arith.extui %sign3A_154 : i1 to i32
      %sign3A_156 = arith.subi %sign3A_152, %sign3A_155 : i32
      %sign3A_157 = arith.constant 0 : i32
      %sign3A_158 = arith.cmpi sgt, %jit3A, %sign3A_157 : i32
      %sign3A_159 = arith.extui %sign3A_158 : i1 to i32
      %sign3A_160 = arith.constant 0 : i32
      %sign3A_161 = arith.cmpi slt, %jit3A, %sign3A_160 : i32
      %sign3A_162 = arith.extui %sign3A_161 : i1 to i32
      %sign3A_163 = arith.subi %sign3A_159, %sign3A_162 : i32
      %ne3A = arith.cmpi ne, %sign3A_156, %sign3A_163 : i32
      %rem3A_164 = arith.remsi %add3A_150, %jit3A : i32
      %ne3A_165 = arith.constant 0 : i32
      %ne3A_166 = arith.cmpi ne, %rem3A_164, %ne3A_165 : i32
      %and3A = arith.andi %ne3A, %ne3A_166 : i1
      %sub3A = arith.constant 1 : i32
      %sub3A_167 = arith.subi %div3A, %sub3A : i32
      %select_n3A = arith.select %and3A, %sub3A_167, %div3A : i32
      %rem3A_168 = arith.constant 2 : i32
      %rem3A_169 = arith.remsi %select_n3A, %rem3A_168 : i32
      %rem3A_170 = arith.constant 25 : i32
      %rem3A_171 = arith.remsi %add3A_150, %rem3A_170 : i32
      %dma_start3A_172 = arith.constant 0 : i32
      %dma_start3A_173 = arith.constant 0 : i32
      %dma_start3A_174 = tpu.memref_slice %arg8[%add3A_150, %dma_start3A_172, %dma_start3A_173] : memref<6x80x64xf32, #tpu.memory_space<vmem>> -> memref<1x80x64xf32, #tpu.memory_space<vmem>>
      %dma_start3A_175 = tpu.memref_squeeze %dma_start3A_174 : memref<1x80x64xf32, #tpu.memory_space<vmem>> -> memref<80x64xf32, #tpu.memory_space<vmem>>
      %dma_start3A_176 = arith.constant 0 : i32
      %dma_start3A_177 = tpu.memref_slice %arg6[%rem3A_169, %rem3A_171, %dma_start3A_176] : memref<2x25x80xi32, #tpu.memory_space<vmem>> -> memref<1x1x80xi32, #tpu.memory_space<vmem>>
      %dma_start3A_178 = tpu.memref_squeeze %dma_start3A_177 : memref<1x1x80xi32, #tpu.memory_space<vmem>> -> memref<80xi32, #tpu.memory_space<vmem>>
      %dma_start3A_179 = arith.constant 0 : i32
      %dma_start3A_180 = arith.constant 0 : i32
      %dma_start3A_181 = tpu.memref_slice %arg2[%dma_start3A_179, %dma_start3A_180] : memref<10000x64xf32, #tpu.memory_space<hbm>> -> memref<10000x64xf32, #tpu.memory_space<hbm>>
      tpu.enqueue_indirect_dma source(%dma_start3A_181 : memref<10000x64xf32, #tpu.memory_space<hbm>>) target(%dma_start3A_175 : memref<80x64xf32, #tpu.memory_space<vmem>>) offsets(%dma_start3A_178 : memref<80xi32, #tpu.memory_space<vmem>>) semaphore(%arg10 : memref<!tpu.dma_semaphore, #tpu.memory_space<semaphore_mem>>)
    }
    %scan3A_120 = arith.constant 5 : i32
    %scan3A_121 = arith.constant 0 : i32
    %scan3A_122 = arith.constant 125 : i32
    %scan3A_123 = arith.addi %scan3A_121, %scan3A_122 : i32
    %scan3A_124 = arith.constant 1 : i32
    scf.for %scan3A_146 = %scan3A_121 to %scan3A_123 step %scan3A_124  : i32 {
      %mul3A_147 = arith.constant 1 : i32
      %mul3A_148 = arith.muli %scan3A_146, %mul3A_147 : i32
      %add3A_149 = arith.constant 0 : i32
      %add3A_150 = arith.addi %add3A_149, %mul3A_148 : i32
      %rem3A_151 = arith.constant 6 : i32
      %rem3A_152 = arith.remsi %add3A_150, %rem3A_151 : i32
      %jit3A = arith.constant 25 : i32
      %div3A = arith.divsi %add3A_150, %jit3A : i32
      %sign3A = arith.constant 0 : i32
      %sign3A_153 = arith.cmpi sgt, %add3A_150, %sign3A : i32
      %sign3A_154 = arith.extui %sign3A_153 : i1 to i32
      %sign3A_155 = arith.constant 0 : i32
      %sign3A_156 = arith.cmpi slt, %add3A_150, %sign3A_155 : i32
      %sign3A_157 = arith.extui %sign3A_156 : i1 to i32
      %sign3A_158 = arith.subi %sign3A_154, %sign3A_157 : i32
      %sign3A_159 = arith.constant 0 : i32
      %sign3A_160 = arith.cmpi sgt, %jit3A, %sign3A_159 : i32
      %sign3A_161 = arith.extui %sign3A_160 : i1 to i32
      %sign3A_162 = arith.constant 0 : i32
      %sign3A_163 = arith.cmpi slt, %jit3A, %sign3A_162 : i32
      %sign3A_164 = arith.extui %sign3A_163 : i1 to i32
      %sign3A_165 = arith.subi %sign3A_161, %sign3A_164 : i32
      %ne3A = arith.cmpi ne, %sign3A_158, %sign3A_165 : i32
      %rem3A_166 = arith.remsi %add3A_150, %jit3A : i32
      %ne3A_167 = arith.constant 0 : i32
      %ne3A_168 = arith.cmpi ne, %rem3A_166, %ne3A_167 : i32
      %and3A = arith.andi %ne3A, %ne3A_168 : i1
      %sub3A = arith.constant 1 : i32
      %sub3A_169 = arith.subi %div3A, %sub3A : i32
      %select_n3A = arith.select %and3A, %sub3A_169, %div3A : i32
      %rem3A_170 = arith.constant 2 : i32
      %rem3A_171 = arith.remsi %select_n3A, %rem3A_170 : i32
      %rem3A_172 = arith.constant 25 : i32
      %rem3A_173 = arith.remsi %add3A_150, %rem3A_172 : i32
      %dma_wait3A_174 = arith.constant 0 : i32
      %dma_wait3A_175 = arith.constant 0 : i32
      %dma_wait3A_176 = tpu.memref_slice %arg8[%rem3A_152, %dma_wait3A_174, %dma_wait3A_175] : memref<6x80x64xf32, #tpu.memory_space<vmem>> -> memref<1x80x64xf32, #tpu.memory_space<vmem>>
      %dma_wait3A_177 = tpu.memref_squeeze %dma_wait3A_176 : memref<1x80x64xf32, #tpu.memory_space<vmem>> -> memref<80x64xf32, #tpu.memory_space<vmem>>
      %dma_wait3A_178 = arith.constant 0 : i32
      %dma_wait3A_179 = tpu.memref_slice %arg6[%rem3A_171, %rem3A_173, %dma_wait3A_178] : memref<2x25x80xi32, #tpu.memory_space<vmem>> -> memref<1x1x80xi32, #tpu.memory_space<vmem>>
      %dma_wait3A_180 = tpu.memref_squeeze %dma_wait3A_179 : memref<1x1x80xi32, #tpu.memory_space<vmem>> -> memref<80xi32, #tpu.memory_space<vmem>>
      %dma_wait3A_181 = arith.constant 0 : i32
      %dma_wait3A_182 = arith.constant 0 : i32
      %dma_wait3A_183 = tpu.memref_slice %arg2[%dma_wait3A_181, %dma_wait3A_182] : memref<10000x64xf32, #tpu.memory_space<hbm>> -> memref<10000x64xf32, #tpu.memory_space<hbm>>
      tpu.wait_indirect_dma semaphore(%arg10 : memref<!tpu.dma_semaphore, #tpu.memory_space<semaphore_mem>>) src(%dma_wait3A_183 : memref<10000x64xf32, #tpu.memory_space<hbm>>) dst(%dma_wait3A_177 : memref<80x64xf32, #tpu.memory_space<vmem>>)
      %ge3A = arith.constant 1 : i32
      %ge3A_184 = arith.cmpi sge, %add3A_150, %ge3A : i32
      %convert_element_type3A = arith.extui %ge3A_184 : i1 to i32
      %cond3A = arith.constant 0 : i32
      %cond3A_185 = arith.cmpi ne, %convert_element_type3A, %cond3A : i32
      scf.if %cond3A_185 {
        %add3A_280 = arith.constant 6 : i32
        %add3A_281 = arith.addi %add3A_150, %add3A_280 : i32
        %sub3A_282 = arith.constant 1 : i32
        %sub3A_283 = arith.subi %add3A_281, %sub3A_282 : i32
        %rem3A_284 = arith.constant 6 : i32
        %rem3A_285 = arith.remsi %sub3A_283, %rem3A_284 : i32
        %sub3A_286 = arith.constant 1 : i32
        %sub3A_287 = arith.subi %add3A_150, %sub3A_286 : i32
        %jit3A_288 = arith.constant 25 : i32
        %div3A_289 = arith.divsi %sub3A_287, %jit3A_288 : i32
        %sign3A_290 = arith.constant 0 : i32
        %sign3A_291 = arith.cmpi sgt, %sub3A_287, %sign3A_290 : i32
        %sign3A_292 = arith.extui %sign3A_291 : i1 to i32
        %sign3A_293 = arith.constant 0 : i32
        %sign3A_294 = arith.cmpi slt, %sub3A_287, %sign3A_293 : i32
        %sign3A_295 = arith.extui %sign3A_294 : i1 to i32
        %sign3A_296 = arith.subi %sign3A_292, %sign3A_295 : i32
        %sign3A_297 = arith.constant 0 : i32
        %sign3A_298 = arith.cmpi sgt, %jit3A_288, %sign3A_297 : i32
        %sign3A_299 = arith.extui %sign3A_298 : i1 to i32
        %sign3A_300 = arith.constant 0 : i32
        %sign3A_301 = arith.cmpi slt, %jit3A_288, %sign3A_300 : i32
        %sign3A_302 = arith.extui %sign3A_301 : i1 to i32
        %sign3A_303 = arith.subi %sign3A_299, %sign3A_302 : i32
        %ne3A_304 = arith.cmpi ne, %sign3A_296, %sign3A_303 : i32
        %rem3A_305 = arith.remsi %sub3A_287, %jit3A_288 : i32
        %ne3A_306 = arith.constant 0 : i32
        %ne3A_307 = arith.cmpi ne, %rem3A_305, %ne3A_306 : i32
        %and3A_308 = arith.andi %ne3A_304, %ne3A_307 : i1
        %sub3A_309 = arith.constant 1 : i32
        %sub3A_310 = arith.subi %div3A_289, %sub3A_309 : i32
        %select_n3A_311 = arith.select %and3A_308, %sub3A_310, %div3A_289 : i32
        %rem3A_312 = arith.constant 2 : i32
        %rem3A_313 = arith.remsi %select_n3A_311, %rem3A_312 : i32
        %rem3A_314 = arith.constant 25 : i32
        %rem3A_315 = arith.remsi %sub3A_287, %rem3A_314 : i32
        %dma_wait3A_316 = arith.constant 0 : i32
        %dma_wait3A_317 = arith.constant 0 : i32
        %dma_wait3A_318 = tpu.memref_slice %arg8[%rem3A_285, %dma_wait3A_316, %dma_wait3A_317] : memref<6x80x64xf32, #tpu.memory_space<vmem>> -> memref<1x80x64xf32, #tpu.memory_space<vmem>>
        %dma_wait3A_319 = tpu.memref_squeeze %dma_wait3A_318 : memref<1x80x64xf32, #tpu.memory_space<vmem>> -> memref<80x64xf32, #tpu.memory_space<vmem>>
        %dma_wait3A_320 = arith.constant 0 : i32
        %dma_wait3A_321 = tpu.memref_slice %arg7[%rem3A_313, %rem3A_315, %dma_wait3A_320] : memref<2x25x80xi32, #tpu.memory_space<vmem>> -> memref<1x1x80xi32, #tpu.memory_space<vmem>>
        %dma_wait3A_322 = tpu.memref_squeeze %dma_wait3A_321 : memref<1x1x80xi32, #tpu.memory_space<vmem>> -> memref<80xi32, #tpu.memory_space<vmem>>
        %dma_wait3A_323 = arith.constant 0 : i32
        %dma_wait3A_324 = arith.constant 0 : i32
        %dma_wait3A_325 = tpu.memref_slice %arg9[%dma_wait3A_323, %dma_wait3A_324] : memref<10000x64xf32, #tpu.memory_space<vmem_shared>> -> memref<10000x64xf32, #tpu.memory_space<vmem_shared>>
        tpu.wait_indirect_dma semaphore(%arg11 : memref<!tpu.dma_semaphore, #tpu.memory_space<semaphore_mem>>) src(%dma_wait3A_319 : memref<80x64xf32, #tpu.memory_space<vmem>>) dst(%dma_wait3A_325 : memref<10000x64xf32, #tpu.memory_space<vmem_shared>>)
      } else {
      }
      %jit3A_186 = arith.constant 25 : i32
      %div3A_187 = arith.divsi %add3A_150, %jit3A_186 : i32
      %sign3A_188 = arith.constant 0 : i32
      %sign3A_189 = arith.cmpi sgt, %add3A_150, %sign3A_188 : i32
      %sign3A_190 = arith.extui %sign3A_189 : i1 to i32
      %sign3A_191 = arith.constant 0 : i32
      %sign3A_192 = arith.cmpi slt, %add3A_150, %sign3A_191 : i32
      %sign3A_193 = arith.extui %sign3A_192 : i1 to i32
      %sign3A_194 = arith.subi %sign3A_190, %sign3A_193 : i32
      %sign3A_195 = arith.constant 0 : i32
      %sign3A_196 = arith.cmpi sgt, %jit3A_186, %sign3A_195 : i32
      %sign3A_197 = arith.extui %sign3A_196 : i1 to i32
      %sign3A_198 = arith.constant 0 : i32
      %sign3A_199 = arith.cmpi slt, %jit3A_186, %sign3A_198 : i32
      %sign3A_200 = arith.extui %sign3A_199 : i1 to i32
      %sign3A_201 = arith.subi %sign3A_197, %sign3A_200 : i32
      %ne3A_202 = arith.cmpi ne, %sign3A_194, %sign3A_201 : i32
      %rem3A_203 = arith.remsi %add3A_150, %jit3A_186 : i32
      %ne3A_204 = arith.constant 0 : i32
      %ne3A_205 = arith.cmpi ne, %rem3A_203, %ne3A_204 : i32
      %and3A_206 = arith.andi %ne3A_202, %ne3A_205 : i1
      %sub3A_207 = arith.constant 1 : i32
      %sub3A_208 = arith.subi %div3A_187, %sub3A_207 : i32
      %select_n3A_209 = arith.select %and3A_206, %sub3A_208, %div3A_187 : i32
      %rem3A_210 = arith.constant 2 : i32
      %rem3A_211 = arith.remsi %select_n3A_209, %rem3A_210 : i32
      %rem3A_212 = arith.constant 25 : i32
      %rem3A_213 = arith.remsi %add3A_150, %rem3A_212 : i32
      %dma_start3A_214 = arith.constant 0 : i32
      %dma_start3A_215 = arith.constant 0 : i32
      %dma_start3A_216 = tpu.memref_slice %arg8[%rem3A_152, %dma_start3A_214, %dma_start3A_215] : memref<6x80x64xf32, #tpu.memory_space<vmem>> -> memref<1x80x64xf32, #tpu.memory_space<vmem>>
      %dma_start3A_217 = tpu.memref_squeeze %dma_start3A_216 : memref<1x80x64xf32, #tpu.memory_space<vmem>> -> memref<80x64xf32, #tpu.memory_space<vmem>>
      %dma_start3A_218 = arith.constant 0 : i32
      %dma_start3A_219 = tpu.memref_slice %arg7[%rem3A_211, %rem3A_213, %dma_start3A_218] : memref<2x25x80xi32, #tpu.memory_space<vmem>> -> memref<1x1x80xi32, #tpu.memory_space<vmem>>
      %dma_start3A_220 = tpu.memref_squeeze %dma_start3A_219 : memref<1x1x80xi32, #tpu.memory_space<vmem>> -> memref<80xi32, #tpu.memory_space<vmem>>
      %dma_start3A_221 = arith.constant 0 : i32
      %dma_start3A_222 = arith.constant 0 : i32
      %dma_start3A_223 = tpu.memref_slice %arg9[%dma_start3A_221, %dma_start3A_222] : memref<10000x64xf32, #tpu.memory_space<vmem_shared>> -> memref<10000x64xf32, #tpu.memory_space<vmem_shared>>
      tpu.enqueue_indirect_dma source(%dma_start3A_217 : memref<80x64xf32, #tpu.memory_space<vmem>>) target(%dma_start3A_223 : memref<10000x64xf32, #tpu.memory_space<vmem_shared>>) offsets(%dma_start3A_220 : memref<80xi32, #tpu.memory_space<vmem>>) semaphore(%arg11 : memref<!tpu.dma_semaphore, #tpu.memory_space<semaphore_mem>>) {add = true}
      %add3A_224 = arith.constant 6 : i32
      %add3A_225 = arith.addi %add3A_150, %add3A_224 : i32
      %sub3A_226 = arith.constant 1 : i32
      %sub3A_227 = arith.subi %add3A_225, %sub3A_226 : i32
      %lt3A = arith.constant 125 : i32
      %lt3A_228 = arith.cmpi slt, %sub3A_227, %lt3A : i32
      %convert_element_type3A_229 = arith.extui %lt3A_228 : i1 to i32
      %cond3A_230 = arith.constant 0 : i32
      %cond3A_231 = arith.cmpi ne, %convert_element_type3A_229, %cond3A_230 : i32
      scf.if %cond3A_231 {
        %add3A_280 = arith.constant 6 : i32
        %add3A_281 = arith.addi %add3A_150, %add3A_280 : i32
        %sub3A_282 = arith.constant 1 : i32
        %sub3A_283 = arith.subi %add3A_281, %sub3A_282 : i32
        %jit3A_284 = arith.constant 25 : i32
        %div3A_285 = arith.divsi %sub3A_283, %jit3A_284 : i32
        %sign3A_286 = arith.constant 0 : i32
        %sign3A_287 = arith.cmpi sgt, %sub3A_283, %sign3A_286 : i32
        %sign3A_288 = arith.extui %sign3A_287 : i1 to i32
        %sign3A_289 = arith.constant 0 : i32
        %sign3A_290 = arith.cmpi slt, %sub3A_283, %sign3A_289 : i32
        %sign3A_291 = arith.extui %sign3A_290 : i1 to i32
        %sign3A_292 = arith.subi %sign3A_288, %sign3A_291 : i32
        %sign3A_293 = arith.constant 0 : i32
        %sign3A_294 = arith.cmpi sgt, %jit3A_284, %sign3A_293 : i32
        %sign3A_295 = arith.extui %sign3A_294 : i1 to i32
        %sign3A_296 = arith.constant 0 : i32
        %sign3A_297 = arith.cmpi slt, %jit3A_284, %sign3A_296 : i32
        %sign3A_298 = arith.extui %sign3A_297 : i1 to i32
        %sign3A_299 = arith.subi %sign3A_295, %sign3A_298 : i32
        %ne3A_300 = arith.cmpi ne, %sign3A_292, %sign3A_299 : i32
        %rem3A_301 = arith.remsi %sub3A_283, %jit3A_284 : i32
        %ne3A_302 = arith.constant 0 : i32
        %ne3A_303 = arith.cmpi ne, %rem3A_301, %ne3A_302 : i32
        %and3A_304 = arith.andi %ne3A_300, %ne3A_303 : i1
        %sub3A_305 = arith.constant 1 : i32
        %sub3A_306 = arith.subi %div3A_285, %sub3A_305 : i32
        %select_n3A_307 = arith.select %and3A_304, %sub3A_306, %div3A_285 : i32
        %rem3A_308 = arith.constant 2 : i32
        %rem3A_309 = arith.remsi %select_n3A_307, %rem3A_308 : i32
        %rem3A_310 = arith.constant 25 : i32
        %rem3A_311 = arith.remsi %sub3A_283, %rem3A_310 : i32
        %add3A_312 = arith.constant 6 : i32
        %add3A_313 = arith.addi %add3A_150, %add3A_312 : i32
        %sub3A_314 = arith.constant 1 : i32
        %sub3A_315 = arith.subi %add3A_313, %sub3A_314 : i32
        %rem3A_316 = arith.constant 6 : i32
        %rem3A_317 = arith.remsi %sub3A_315, %rem3A_316 : i32
        %dma_start3A_318 = arith.constant 0 : i32
        %dma_start3A_319 = arith.constant 0 : i32
        %dma_start3A_320 = tpu.memref_slice %arg8[%rem3A_317, %dma_start3A_318, %dma_start3A_319] : memref<6x80x64xf32, #tpu.memory_space<vmem>> -> memref<1x80x64xf32, #tpu.memory_space<vmem>>
        %dma_start3A_321 = tpu.memref_squeeze %dma_start3A_320 : memref<1x80x64xf32, #tpu.memory_space<vmem>> -> memref<80x64xf32, #tpu.memory_space<vmem>>
        %dma_start3A_322 = arith.constant 0 : i32
        %dma_start3A_323 = tpu.memref_slice %arg6[%rem3A_309, %rem3A_311, %dma_start3A_322] : memref<2x25x80xi32, #tpu.memory_space<vmem>> -> memref<1x1x80xi32, #tpu.memory_space<vmem>>
        %dma_start3A_324 = tpu.memref_squeeze %dma_start3A_323 : memref<1x1x80xi32, #tpu.memory_space<vmem>> -> memref<80xi32, #tpu.memory_space<vmem>>
        %dma_start3A_325 = arith.constant 0 : i32
        %dma_start3A_326 = arith.constant 0 : i32
        %dma_start3A_327 = tpu.memref_slice %arg2[%dma_start3A_325, %dma_start3A_326] : memref<10000x64xf32, #tpu.memory_space<hbm>> -> memref<10000x64xf32, #tpu.memory_space<hbm>>
        tpu.enqueue_indirect_dma source(%dma_start3A_327 : memref<10000x64xf32, #tpu.memory_space<hbm>>) target(%dma_start3A_321 : memref<80x64xf32, #tpu.memory_space<vmem>>) offsets(%dma_start3A_324 : memref<80xi32, #tpu.memory_space<vmem>>) semaphore(%arg10 : memref<!tpu.dma_semaphore, #tpu.memory_space<semaphore_mem>>)
      } else {
      }
      %jit3A_232 = arith.constant 25 : i32
      %div3A_233 = arith.divsi %add3A_150, %jit3A_232 : i32
      %sign3A_234 = arith.constant 0 : i32
      %sign3A_235 = arith.cmpi sgt, %add3A_150, %sign3A_234 : i32
      %sign3A_236 = arith.extui %sign3A_235 : i1 to i32
      %sign3A_237 = arith.constant 0 : i32
      %sign3A_238 = arith.cmpi slt, %add3A_150, %sign3A_237 : i32
      %sign3A_239 = arith.extui %sign3A_238 : i1 to i32
      %sign3A_240 = arith.subi %sign3A_236, %sign3A_239 : i32
      %sign3A_241 = arith.constant 0 : i32
      %sign3A_242 = arith.cmpi sgt, %jit3A_232, %sign3A_241 : i32
      %sign3A_243 = arith.extui %sign3A_242 : i1 to i32
      %sign3A_244 = arith.constant 0 : i32
      %sign3A_245 = arith.cmpi slt, %jit3A_232, %sign3A_244 : i32
      %sign3A_246 = arith.extui %sign3A_245 : i1 to i32
      %sign3A_247 = arith.subi %sign3A_243, %sign3A_246 : i32
      %ne3A_248 = arith.cmpi ne, %sign3A_240, %sign3A_247 : i32
      %rem3A_249 = arith.remsi %add3A_150, %jit3A_232 : i32
      %ne3A_250 = arith.constant 0 : i32
      %ne3A_251 = arith.cmpi ne, %rem3A_249, %ne3A_250 : i32
      %and3A_252 = arith.andi %ne3A_248, %ne3A_251 : i1
      %sub3A_253 = arith.constant 1 : i32
      %sub3A_254 = arith.subi %div3A_233, %sub3A_253 : i32
      %select_n3A_255 = arith.select %and3A_252, %sub3A_254, %div3A_233 : i32
      %rem3A_256 = arith.constant 25 : i32
      %rem3A_257 = arith.remsi %add3A_150, %rem3A_256 : i32
      %eq3A = arith.constant 1 : i32
      %eq3A_258 = arith.cmpi eq, %rem3A_257, %eq3A : i32
      %ge3A_259 = arith.constant 1 : i32
      %ge3A_260 = arith.cmpi sge, %select_n3A_255, %ge3A_259 : i32
      %add3A_261 = arith.constant 1 : i32
      %add3A_262 = arith.addi %select_n3A_255, %add3A_261 : i32
      %lt3A_263 = arith.constant 5 : i32
      %lt3A_264 = arith.cmpi slt, %add3A_262, %lt3A_263 : i32
      %and3A_265 = arith.andi %ge3A_260, %lt3A_264 : i1
      %and3A_266 = arith.andi %eq3A_258, %and3A_265 : i1
      %convert_element_type3A_267 = arith.extui %and3A_266 : i1 to i32
      %cond3A_268 = arith.constant 0 : i32
      %cond3A_269 = arith.cmpi ne, %convert_element_type3A_267, %cond3A_268 : i32
      scf.if %cond3A_269 {
        %add3A_280 = arith.constant 1 : i32
        %add3A_281 = arith.addi %select_n3A_255, %add3A_280 : i32
        %rem3A_282 = arith.constant 2 : i32
        %rem3A_283 = arith.remsi %add3A_281, %rem3A_282 : i32
        %mul3A_284 = arith.constant 25 : i32
        %mul3A_285 = arith.muli %add3A_281, %mul3A_284 : i32
        %add3A_286 = arith.addi %mul3A_5, %mul3A_285 : i32
        %dma_start3A_287 = arith.constant 0 : i32
        %dma_start3A_288 = arith.constant 0 : i32
        %dma_start3A_289 = arith.constant 0 : i32
        %dma_start3A_290 = tpu.memref_slice %arg6[%rem3A_283, %dma_start3A_288, %dma_start3A_289] : memref<2x25x80xi32, #tpu.memory_space<vmem>> -> memref<1x25x80xi32, #tpu.memory_space<vmem>>
        %dma_start3A_291 = tpu.memref_squeeze %dma_start3A_290 : memref<1x25x80xi32, #tpu.memory_space<vmem>> -> memref<25x80xi32, #tpu.memory_space<vmem>>
        %dma_start3A_292 = arith.constant 0 : i32
        %dma_start3A_293 = tpu.memref_slice %arg3[%dma_start3A_287, %add3A_286, %dma_start3A_292] : memref<2x4000x80xi32, #tpu.memory_space<hbm>> -> memref<1x25x80xi32, #tpu.memory_space<hbm>>
        %dma_start3A_294 = tpu.memref_squeeze %dma_start3A_293 : memref<1x25x80xi32, #tpu.memory_space<hbm>> -> memref<25x80xi32, #tpu.memory_space<hbm>>
        %dma_start3A_295 = arith.constant 0 : i32
        %dma_start3A_296 = arith.constant 0 : i32
        %dma_start3A_297 = tpu.memref_slice %arg6[%rem3A_283, %dma_start3A_295, %dma_start3A_296] : memref<2x25x80xi32, #tpu.memory_space<vmem>> -> memref<1x25x80xi32, #tpu.memory_space<vmem>>
        %dma_start3A_298 = tpu.memref_squeeze %dma_start3A_297 : memref<1x25x80xi32, #tpu.memory_space<vmem>> -> memref<25x80xi32, #tpu.memory_space<vmem>>
        %dma_start3A_299 = arith.constant 0 : i32
        %dma_start3A_300 = tpu.memref_slice %arg3[%dma_start3A_287, %add3A_286, %dma_start3A_299] : memref<2x4000x80xi32, #tpu.memory_space<hbm>> -> memref<1x25x80xi32, #tpu.memory_space<hbm>>
        %dma_start3A_301 = tpu.memref_squeeze %dma_start3A_300 : memref<1x25x80xi32, #tpu.memory_space<hbm>> -> memref<25x80xi32, #tpu.memory_space<hbm>>
        tpu.enqueue_dma source(%dma_start3A_301 : memref<25x80xi32, #tpu.memory_space<hbm>>) target(%dma_start3A_298 : memref<25x80xi32, #tpu.memory_space<vmem>>) target_semaphore(%arg12 : memref<!tpu.dma_semaphore, #tpu.memory_space<semaphore_mem>>)
        %mul3A_302 = arith.constant 25 : i32
        %mul3A_303 = arith.muli %add3A_281, %mul3A_302 : i32
        %add3A_304 = arith.addi %mul3A_5, %mul3A_303 : i32
        %dma_start3A_305 = arith.constant 1 : i32
        %dma_start3A_306 = arith.constant 0 : i32
        %dma_start3A_307 = arith.constant 0 : i32
        %dma_start3A_308 = tpu.memref_slice %arg7[%rem3A_283, %dma_start3A_306, %dma_start3A_307] : memref<2x25x80xi32, #tpu.memory_space<vmem>> -> memref<1x25x80xi32, #tpu.memory_space<vmem>>
        %dma_start3A_309 = tpu.memref_squeeze %dma_start3A_308 : memref<1x25x80xi32, #tpu.memory_space<vmem>> -> memref<25x80xi32, #tpu.memory_space<vmem>>
        %dma_start3A_310 = arith.constant 0 : i32
        %dma_start3A_311 = tpu.memref_slice %arg3[%dma_start3A_305, %add3A_304, %dma_start3A_310] : memref<2x4000x80xi32, #tpu.memory_space<hbm>> -> memref<1x25x80xi32, #tpu.memory_space<hbm>>
        %dma_start3A_312 = tpu.memref_squeeze %dma_start3A_311 : memref<1x25x80xi32, #tpu.memory_space<hbm>> -> memref<25x80xi32, #tpu.memory_space<hbm>>
        %dma_start3A_313 = arith.constant 0 : i32
        %dma_start3A_314 = arith.constant 0 : i32
        %dma_start3A_315 = tpu.memref_slice %arg7[%rem3A_283, %dma_start3A_313, %dma_start3A_314] : memref<2x25x80xi32, #tpu.memory_space<vmem>> -> memref<1x25x80xi32, #tpu.memory_space<vmem>>
        %dma_start3A_316 = tpu.memref_squeeze %dma_start3A_315 : memref<1x25x80xi32, #tpu.memory_space<vmem>> -> memref<25x80xi32, #tpu.memory_space<vmem>>
        %dma_start3A_317 = arith.constant 0 : i32
        %dma_start3A_318 = tpu.memref_slice %arg3[%dma_start3A_305, %add3A_304, %dma_start3A_317] : memref<2x4000x80xi32, #tpu.memory_space<hbm>> -> memref<1x25x80xi32, #tpu.memory_space<hbm>>
        %dma_start3A_319 = tpu.memref_squeeze %dma_start3A_318 : memref<1x25x80xi32, #tpu.memory_space<hbm>> -> memref<25x80xi32, #tpu.memory_space<hbm>>
        tpu.enqueue_dma source(%dma_start3A_319 : memref<25x80xi32, #tpu.memory_space<hbm>>) target(%dma_start3A_316 : memref<25x80xi32, #tpu.memory_space<vmem>>) target_semaphore(%arg12 : memref<!tpu.dma_semaphore, #tpu.memory_space<semaphore_mem>>)
      } else {
      }
      %eq3A_270 = arith.constant 19 : i32
      %eq3A_271 = arith.cmpi eq, %rem3A_257, %eq3A_270 : i32
      %add3A_272 = arith.constant 1 : i32
      %add3A_273 = arith.addi %select_n3A_255, %add3A_272 : i32
      %lt3A_274 = arith.constant 5 : i32
      %lt3A_275 = arith.cmpi slt, %add3A_273, %lt3A_274 : i32
      %and3A_276 = arith.andi %eq3A_271, %lt3A_275 : i1
      %convert_element_type3A_277 = arith.extui %and3A_276 : i1 to i32
      %cond3A_278 = arith.constant 0 : i32
      %cond3A_279 = arith.cmpi ne, %convert_element_type3A_277, %cond3A_278 : i32
      scf.if %cond3A_279 {
        %add3A_280 = arith.constant 1 : i32
        %add3A_281 = arith.addi %select_n3A_255, %add3A_280 : i32
        %rem3A_282 = arith.constant 2 : i32
        %rem3A_283 = arith.remsi %add3A_281, %rem3A_282 : i32
        %mul3A_284 = arith.constant 25 : i32
        %mul3A_285 = arith.muli %add3A_281, %mul3A_284 : i32
        %add3A_286 = arith.addi %mul3A_5, %mul3A_285 : i32
        %dma_wait3A_287 = arith.constant 0 : i32
        %dma_wait3A_288 = arith.constant 0 : i32
        %dma_wait3A_289 = arith.constant 0 : i32
        %dma_wait3A_290 = tpu.memref_slice %arg6[%rem3A_283, %dma_wait3A_288, %dma_wait3A_289] : memref<2x25x80xi32, #tpu.memory_space<vmem>> -> memref<1x25x80xi32, #tpu.memory_space<vmem>>
        %dma_wait3A_291 = tpu.memref_squeeze %dma_wait3A_290 : memref<1x25x80xi32, #tpu.memory_space<vmem>> -> memref<25x80xi32, #tpu.memory_space<vmem>>
        %dma_wait3A_292 = arith.constant 0 : i32
        %dma_wait3A_293 = tpu.memref_slice %arg3[%dma_wait3A_287, %add3A_286, %dma_wait3A_292] : memref<2x4000x80xi32, #tpu.memory_space<hbm>> -> memref<1x25x80xi32, #tpu.memory_space<hbm>>
        %dma_wait3A_294 = tpu.memref_squeeze %dma_wait3A_293 : memref<1x25x80xi32, #tpu.memory_space<hbm>> -> memref<25x80xi32, #tpu.memory_space<hbm>>
        %dma_wait3A_295 = arith.constant 0 : i32
        %dma_wait3A_296 = arith.constant 0 : i32
        %dma_wait3A_297 = tpu.memref_slice %arg6[%rem3A_283, %dma_wait3A_295, %dma_wait3A_296] : memref<2x25x80xi32, #tpu.memory_space<vmem>> -> memref<1x25x80xi32, #tpu.memory_space<vmem>>
        %dma_wait3A_298 = tpu.memref_squeeze %dma_wait3A_297 : memref<1x25x80xi32, #tpu.memory_space<vmem>> -> memref<25x80xi32, #tpu.memory_space<vmem>>
        %dma_wait3A_299 = arith.constant 0 : i32
        %dma_wait3A_300 = tpu.memref_slice %arg3[%dma_wait3A_287, %add3A_286, %dma_wait3A_299] : memref<2x4000x80xi32, #tpu.memory_space<hbm>> -> memref<1x25x80xi32, #tpu.memory_space<hbm>>
        %dma_wait3A_301 = tpu.memref_squeeze %dma_wait3A_300 : memref<1x25x80xi32, #tpu.memory_space<hbm>> -> memref<25x80xi32, #tpu.memory_space<hbm>>
        tpu.wait_dma2 semaphore(%arg12 : memref<!tpu.dma_semaphore, #tpu.memory_space<semaphore_mem>>) src(%dma_wait3A_301 : memref<25x80xi32, #tpu.memory_space<hbm>>) dst(%dma_wait3A_298 : memref<25x80xi32, #tpu.memory_space<vmem>>)
        %mul3A_302 = arith.constant 25 : i32
        %mul3A_303 = arith.muli %add3A_281, %mul3A_302 : i32
        %add3A_304 = arith.addi %mul3A_5, %mul3A_303 : i32
        %dma_wait3A_305 = arith.constant 1 : i32
        %dma_wait3A_306 = arith.constant 0 : i32
        %dma_wait3A_307 = arith.constant 0 : i32
        %dma_wait3A_308 = tpu.memref_slice %arg7[%rem3A_283, %dma_wait3A_306, %dma_wait3A_307] : memref<2x25x80xi32, #tpu.memory_space<vmem>> -> memref<1x25x80xi32, #tpu.memory_space<vmem>>
        %dma_wait3A_309 = tpu.memref_squeeze %dma_wait3A_308 : memref<1x25x80xi32, #tpu.memory_space<vmem>> -> memref<25x80xi32, #tpu.memory_space<vmem>>
        %dma_wait3A_310 = arith.constant 0 : i32
        %dma_wait3A_311 = tpu.memref_slice %arg3[%dma_wait3A_305, %add3A_304, %dma_wait3A_310] : memref<2x4000x80xi32, #tpu.memory_space<hbm>> -> memref<1x25x80xi32, #tpu.memory_space<hbm>>
        %dma_wait3A_312 = tpu.memref_squeeze %dma_wait3A_311 : memref<1x25x80xi32, #tpu.memory_space<hbm>> -> memref<25x80xi32, #tpu.memory_space<hbm>>
        %dma_wait3A_313 = arith.constant 0 : i32
        %dma_wait3A_314 = arith.constant 0 : i32
        %dma_wait3A_315 = tpu.memref_slice %arg7[%rem3A_283, %dma_wait3A_313, %dma_wait3A_314] : memref<2x25x80xi32, #tpu.memory_space<vmem>> -> memref<1x25x80xi32, #tpu.memory_space<vmem>>
        %dma_wait3A_316 = tpu.memref_squeeze %dma_wait3A_315 : memref<1x25x80xi32, #tpu.memory_space<vmem>> -> memref<25x80xi32, #tpu.memory_space<vmem>>
        %dma_wait3A_317 = arith.constant 0 : i32
        %dma_wait3A_318 = tpu.memref_slice %arg3[%dma_wait3A_305, %add3A_304, %dma_wait3A_317] : memref<2x4000x80xi32, #tpu.memory_space<hbm>> -> memref<1x25x80xi32, #tpu.memory_space<hbm>>
        %dma_wait3A_319 = tpu.memref_squeeze %dma_wait3A_318 : memref<1x25x80xi32, #tpu.memory_space<hbm>> -> memref<25x80xi32, #tpu.memory_space<hbm>>
        tpu.wait_dma2 semaphore(%arg12 : memref<!tpu.dma_semaphore, #tpu.memory_space<semaphore_mem>>) src(%dma_wait3A_319 : memref<25x80xi32, #tpu.memory_space<hbm>>) dst(%dma_wait3A_316 : memref<25x80xi32, #tpu.memory_space<vmem>>)
      } else {
      }
    }
    %scan3A_125 = arith.constant 125 : i32
    %rem3A_126 = arith.constant 124 : i32
    %rem3A_127 = arith.constant 6 : i32
    %rem3A_128 = arith.remsi %rem3A_126, %rem3A_127 : i32
    %rem3A_129 = arith.constant 4 : i32
    %rem3A_130 = arith.constant 2 : i32
    %rem3A_131 = arith.remsi %rem3A_129, %rem3A_130 : i32
    %rem3A_132 = arith.constant 124 : i32
    %rem3A_133 = arith.constant 25 : i32
    %rem3A_134 = arith.remsi %rem3A_132, %rem3A_133 : i32
    %dma_wait3A_135 = arith.constant 0 : i32
    %dma_wait3A_136 = arith.constant 0 : i32
    %dma_wait3A_137 = tpu.memref_slice %arg8[%rem3A_128, %dma_wait3A_135, %dma_wait3A_136] : memref<6x80x64xf32, #tpu.memory_space<vmem>> -> memref<1x80x64xf32, #tpu.memory_space<vmem>>
    %dma_wait3A_138 = tpu.memref_squeeze %dma_wait3A_137 : memref<1x80x64xf32, #tpu.memory_space<vmem>> -> memref<80x64xf32, #tpu.memory_space<vmem>>
    %dma_wait3A_139 = arith.constant 0 : i32
    %dma_wait3A_140 = tpu.memref_slice %arg7[%rem3A_131, %rem3A_134, %dma_wait3A_139] : memref<2x25x80xi32, #tpu.memory_space<vmem>> -> memref<1x1x80xi32, #tpu.memory_space<vmem>>
    %dma_wait3A_141 = tpu.memref_squeeze %dma_wait3A_140 : memref<1x1x80xi32, #tpu.memory_space<vmem>> -> memref<80xi32, #tpu.memory_space<vmem>>
    %dma_wait3A_142 = arith.constant 0 : i32
    %dma_wait3A_143 = arith.constant 0 : i32
    %dma_wait3A_144 = tpu.memref_slice %arg9[%dma_wait3A_142, %dma_wait3A_143] : memref<10000x64xf32, #tpu.memory_space<vmem_shared>> -> memref<10000x64xf32, #tpu.memory_space<vmem_shared>>
    tpu.wait_indirect_dma semaphore(%arg11 : memref<!tpu.dma_semaphore, #tpu.memory_space<semaphore_mem>>) src(%dma_wait3A_138 : memref<80x64xf32, #tpu.memory_space<vmem>>) dst(%dma_wait3A_144 : memref<10000x64xf32, #tpu.memory_space<vmem_shared>>)
    %barrier3A_145 = arith.constant 0 : index
    tpu.barrier barrier_id(%barrier3A_145)
    "tpu.region"() ({
      %run_scoped3A = tpu.sem_alloc : memref<!tpu.dma_semaphore, #tpu.memory_space<semaphore_mem>>
      %dma_start3A_146 = arith.constant 0 : i32
      %dma_start3A_147 = tpu.memref_slice %arg5[%arg0, %mul3A_0, %dma_start3A_146] : memref<2x10000x128xf32, #tpu.memory_space<hbm>> -> memref<1x625x64xf32, #tpu.memory_space<hbm>>
      %dma_start3A_148 = tpu.memref_squeeze %dma_start3A_147 : memref<1x625x64xf32, #tpu.memory_space<hbm>> -> memref<625x64xf32, #tpu.memory_space<hbm>>
      %dma_start3A_149 = arith.constant 0 : i32
      %dma_start3A_150 = tpu.memref_slice %arg9[%mul3A_0, %dma_start3A_149] : memref<10000x64xf32, #tpu.memory_space<vmem_shared>> -> memref<625x64xf32, #tpu.memory_space<vmem_shared>>
      tpu.enqueue_dma source(%dma_start3A_150 : memref<625x64xf32, #tpu.memory_space<vmem_shared>>) target(%dma_start3A_148 : memref<625x64xf32, #tpu.memory_space<hbm>>) target_semaphore(%run_scoped3A : memref<!tpu.dma_semaphore, #tpu.memory_space<semaphore_mem>>)
      %dma_wait3A_151 = arith.constant 0 : i32
      %dma_wait3A_152 = tpu.memref_slice %arg5[%arg0, %mul3A_0, %dma_wait3A_151] : memref<2x10000x128xf32, #tpu.memory_space<hbm>> -> memref<1x625x64xf32, #tpu.memory_space<hbm>>
      %dma_wait3A_153 = tpu.memref_squeeze %dma_wait3A_152 : memref<1x625x64xf32, #tpu.memory_space<hbm>> -> memref<625x64xf32, #tpu.memory_space<hbm>>
      %dma_wait3A_154 = arith.constant 0 : i32
      %dma_wait3A_155 = tpu.memref_slice %arg9[%mul3A_0, %dma_wait3A_154] : memref<10000x64xf32, #tpu.memory_space<vmem_shared>> -> memref<625x64xf32, #tpu.memory_space<vmem_shared>>
      tpu.wait_dma2 semaphore(%run_scoped3A : memref<!tpu.dma_semaphore, #tpu.memory_space<semaphore_mem>>) src(%dma_wait3A_155 : memref<625x64xf32, #tpu.memory_space<vmem_shared>>) dst(%dma_wait3A_153 : memref<625x64xf32, #tpu.memory_space<hbm>>)
      tpu.yield
    }) : () -> ()
    return
  }
}

#map = affine_map<(d0, d1) -> (0, 0, 0)>
#map1 = affine_map<(d0, d1) -> (0)>
#map2 = affine_map<(d0, d1) -> (0, 0)>
module attributes {stable_mosaic.version = 14 : i64} {
  func.func @_deg_kernel(%arg0: i32, %arg1: i32, %arg2: memref<2x4000x80xi32, #tpu.memory_space<hbm>>, %arg3: memref<10240xf32, #tpu.memory_space<hbm>>, %arg4: memref<2x10240xf32, #tpu.memory_space<hbm>>, %arg5: memref<2x10240xf32, #tpu.memory_space<hbm>>, %arg6: memref<125x80xi32, #tpu.memory_space<vmem>>, %arg7: memref<125x80xi32, #tpu.memory_space<vmem>>, %arg8: memref<80xf32, #tpu.memory_space<vmem>>, %arg9: memref<10240xf32, #tpu.memory_space<vmem_shared>>, %arg10: memref<10240xf32, #tpu.memory_space<vmem_shared>>, %arg11: memref<!tpu.dma_semaphore, #tpu.memory_space<semaphore_mem>>, %arg12: memref<!tpu.dma_semaphore, #tpu.memory_space<semaphore_mem>>) attributes {dimension_semantics = [#tpu.dimension_semantics<core_parallel>, #tpu.dimension_semantics<subcore_parallel>], iteration_bounds = array<i64: 2, 16>, scalar_prefetch = 0 : i64, scratch_operands = 7 : i64, tpu.core_type = #tpu.core_type<sc_vector_subcore>, window_params = [{transform_indices = #map}, {transform_indices = #map1}, {transform_indices = #map2}, {transform_indices = #map2}]} {
    %scan3A = arith.constant 0 : i32
    %scan3A_0 = arith.constant 5 : i32
    %scan3A_1 = arith.addi %scan3A, %scan3A_0 : i32
    %scan3A_2 = arith.constant 1 : i32
    scf.for %scan3A_16 = %scan3A to %scan3A_1 step %scan3A_2  : i32 {
      %mul3A_17 = arith.constant 1 : i32
      %mul3A_18 = arith.muli %scan3A_16, %mul3A_17 : i32
      %add3A_19 = arith.constant 0 : i32
      %add3A_20 = arith.addi %add3A_19, %mul3A_18 : i32
      %broadcast_in_dim3A = arith.constant 1.000000e+00 : f32
      %broadcast_in_dim3A_21 = vector.broadcast %broadcast_in_dim3A : f32 to vector<16xf32>
      %mul3A_22 = arith.constant 16 : i32
      %mul3A_23 = arith.muli %add3A_20, %mul3A_22 : i32
      %swap3A = arith.index_cast %mul3A_23 : i32 to index
      %swap3A_24 = tpu.vector_load %arg8[%swap3A] {strides = array<i32>} : memref<80xf32, #tpu.memory_space<vmem>>, vector<16xf32>,
      %swap3A_25 = vector.shape_cast %swap3A_24 : vector<16xf32> to vector<16xf32>
      %swap3A_26 = vector.shape_cast %broadcast_in_dim3A_21 : vector<16xf32> to vector<16xf32>
      tpu.vector_store %arg8[%swap3A], %swap3A_26 {strides = array<i32>} : memref<80xf32, #tpu.memory_space<vmem>>, vector<16xf32>,
    }
    %scan3A_3 = arith.constant 5 : i32
    %mul3A = arith.constant 640 : i32
    %mul3A_4 = arith.muli %arg1, %mul3A : i32
    "tpu.region"() ({
      %run_scoped3A_16 = tpu.sem_alloc : memref<!tpu.dma_semaphore, #tpu.memory_space<semaphore_mem>>
      %dma_start3A = tpu.memref_slice %arg9[%mul3A_4] : memref<10240xf32, #tpu.memory_space<vmem_shared>> -> memref<640xf32, #tpu.memory_space<vmem_shared>>
      %dma_start3A_17 = tpu.memref_slice %arg3[%mul3A_4] : memref<10240xf32, #tpu.memory_space<hbm>> -> memref<640xf32, #tpu.memory_space<hbm>>
      tpu.enqueue_dma source(%dma_start3A_17 : memref<640xf32, #tpu.memory_space<hbm>>) target(%dma_start3A : memref<640xf32, #tpu.memory_space<vmem_shared>>) target_semaphore(%run_scoped3A_16 : memref<!tpu.dma_semaphore, #tpu.memory_space<semaphore_mem>>)
      %dma_wait3A = tpu.memref_slice %arg9[%mul3A_4] : memref<10240xf32, #tpu.memory_space<vmem_shared>> -> memref<640xf32, #tpu.memory_space<vmem_shared>>
      %dma_wait3A_18 = tpu.memref_slice %arg3[%mul3A_4] : memref<10240xf32, #tpu.memory_space<hbm>> -> memref<640xf32, #tpu.memory_space<hbm>>
      tpu.wait_dma2 semaphore(%run_scoped3A_16 : memref<!tpu.dma_semaphore, #tpu.memory_space<semaphore_mem>>) src(%dma_wait3A_18 : memref<640xf32, #tpu.memory_space<hbm>>) dst(%dma_wait3A : memref<640xf32, #tpu.memory_space<vmem_shared>>)
      tpu.yield
    }) : () -> ()
    "tpu.region"() ({
      %run_scoped3A_16 = tpu.sem_alloc : memref<!tpu.dma_semaphore, #tpu.memory_space<semaphore_mem>>
      %dma_start3A = tpu.memref_slice %arg10[%mul3A_4] : memref<10240xf32, #tpu.memory_space<vmem_shared>> -> memref<640xf32, #tpu.memory_space<vmem_shared>>
      %dma_start3A_17 = tpu.memref_slice %arg3[%mul3A_4] : memref<10240xf32, #tpu.memory_space<hbm>> -> memref<640xf32, #tpu.memory_space<hbm>>
      tpu.enqueue_dma source(%dma_start3A_17 : memref<640xf32, #tpu.memory_space<hbm>>) target(%dma_start3A : memref<640xf32, #tpu.memory_space<vmem_shared>>) target_semaphore(%run_scoped3A_16 : memref<!tpu.dma_semaphore, #tpu.memory_space<semaphore_mem>>)
      %dma_wait3A = tpu.memref_slice %arg10[%mul3A_4] : memref<10240xf32, #tpu.memory_space<vmem_shared>> -> memref<640xf32, #tpu.memory_space<vmem_shared>>
      %dma_wait3A_18 = tpu.memref_slice %arg3[%mul3A_4] : memref<10240xf32, #tpu.memory_space<hbm>> -> memref<640xf32, #tpu.memory_space<hbm>>
      tpu.wait_dma2 semaphore(%run_scoped3A_16 : memref<!tpu.dma_semaphore, #tpu.memory_space<semaphore_mem>>) src(%dma_wait3A_18 : memref<640xf32, #tpu.memory_space<hbm>>) dst(%dma_wait3A : memref<640xf32, #tpu.memory_space<vmem_shared>>)
      tpu.yield
    }) : () -> ()
    %mul3A_5 = arith.constant 16 : i32
    %mul3A_6 = arith.muli %arg0, %mul3A_5 : i32
    %add3A = arith.addi %mul3A_6, %arg1 : i32
    %mul3A_7 = arith.constant 125 : i32
    %mul3A_8 = arith.muli %add3A, %mul3A_7 : i32
    %run_scoped3A = arith.constant 0 : i32
    "tpu.region"() ({
      %run_scoped3A_16 = tpu.sem_alloc : memref<!tpu.dma_semaphore, #tpu.memory_space<semaphore_mem>>
      %dma_start3A = arith.constant 0 : i32
      %dma_start3A_17 = tpu.memref_slice %arg2[%run_scoped3A, %mul3A_8, %dma_start3A] : memref<2x4000x80xi32, #tpu.memory_space<hbm>> -> memref<1x125x80xi32, #tpu.memory_space<hbm>>
      %dma_start3A_18 = tpu.memref_squeeze %dma_start3A_17 : memref<1x125x80xi32, #tpu.memory_space<hbm>> -> memref<125x80xi32, #tpu.memory_space<hbm>>
      %dma_start3A_19 = arith.constant 0 : i32
      %dma_start3A_20 = tpu.memref_slice %arg2[%run_scoped3A, %mul3A_8, %dma_start3A_19] : memref<2x4000x80xi32, #tpu.memory_space<hbm>> -> memref<1x125x80xi32, #tpu.memory_space<hbm>>
      %dma_start3A_21 = tpu.memref_squeeze %dma_start3A_20 : memref<1x125x80xi32, #tpu.memory_space<hbm>> -> memref<125x80xi32, #tpu.memory_space<hbm>>
      tpu.enqueue_dma source(%dma_start3A_21 : memref<125x80xi32, #tpu.memory_space<hbm>>) target(%arg6 : memref<125x80xi32, #tpu.memory_space<vmem>>) target_semaphore(%run_scoped3A_16 : memref<!tpu.dma_semaphore, #tpu.memory_space<semaphore_mem>>)
      %dma_wait3A = arith.constant 0 : i32
      %dma_wait3A_22 = tpu.memref_slice %arg2[%run_scoped3A, %mul3A_8, %dma_wait3A] : memref<2x4000x80xi32, #tpu.memory_space<hbm>> -> memref<1x125x80xi32, #tpu.memory_space<hbm>>
      %dma_wait3A_23 = tpu.memref_squeeze %dma_wait3A_22 : memref<1x125x80xi32, #tpu.memory_space<hbm>> -> memref<125x80xi32, #tpu.memory_space<hbm>>
      %dma_wait3A_24 = arith.constant 0 : i32
      %dma_wait3A_25 = tpu.memref_slice %arg2[%run_scoped3A, %mul3A_8, %dma_wait3A_24] : memref<2x4000x80xi32, #tpu.memory_space<hbm>> -> memref<1x125x80xi32, #tpu.memory_space<hbm>>
      %dma_wait3A_26 = tpu.memref_squeeze %dma_wait3A_25 : memref<1x125x80xi32, #tpu.memory_space<hbm>> -> memref<125x80xi32, #tpu.memory_space<hbm>>
      tpu.wait_dma2 semaphore(%run_scoped3A_16 : memref<!tpu.dma_semaphore, #tpu.memory_space<semaphore_mem>>) src(%dma_wait3A_26 : memref<125x80xi32, #tpu.memory_space<hbm>>) dst(%arg6 : memref<125x80xi32, #tpu.memory_space<vmem>>)
      tpu.yield
    }) : () -> ()
    %run_scoped3A_9 = arith.constant 1 : i32
    "tpu.region"() ({
      %run_scoped3A_16 = tpu.sem_alloc : memref<!tpu.dma_semaphore, #tpu.memory_space<semaphore_mem>>
      %dma_start3A = arith.constant 0 : i32
      %dma_start3A_17 = tpu.memref_slice %arg2[%run_scoped3A_9, %mul3A_8, %dma_start3A] : memref<2x4000x80xi32, #tpu.memory_space<hbm>> -> memref<1x125x80xi32, #tpu.memory_space<hbm>>
      %dma_start3A_18 = tpu.memref_squeeze %dma_start3A_17 : memref<1x125x80xi32, #tpu.memory_space<hbm>> -> memref<125x80xi32, #tpu.memory_space<hbm>>
      %dma_start3A_19 = arith.constant 0 : i32
      %dma_start3A_20 = tpu.memref_slice %arg2[%run_scoped3A_9, %mul3A_8, %dma_start3A_19] : memref<2x4000x80xi32, #tpu.memory_space<hbm>> -> memref<1x125x80xi32, #tpu.memory_space<hbm>>
      %dma_start3A_21 = tpu.memref_squeeze %dma_start3A_20 : memref<1x125x80xi32, #tpu.memory_space<hbm>> -> memref<125x80xi32, #tpu.memory_space<hbm>>
      tpu.enqueue_dma source(%dma_start3A_21 : memref<125x80xi32, #tpu.memory_space<hbm>>) target(%arg7 : memref<125x80xi32, #tpu.memory_space<vmem>>) target_semaphore(%run_scoped3A_16 : memref<!tpu.dma_semaphore, #tpu.memory_space<semaphore_mem>>)
      %dma_wait3A = arith.constant 0 : i32
      %dma_wait3A_22 = tpu.memref_slice %arg2[%run_scoped3A_9, %mul3A_8, %dma_wait3A] : memref<2x4000x80xi32, #tpu.memory_space<hbm>> -> memref<1x125x80xi32, #tpu.memory_space<hbm>>
      %dma_wait3A_23 = tpu.memref_squeeze %dma_wait3A_22 : memref<1x125x80xi32, #tpu.memory_space<hbm>> -> memref<125x80xi32, #tpu.memory_space<hbm>>
      %dma_wait3A_24 = arith.constant 0 : i32
      %dma_wait3A_25 = tpu.memref_slice %arg2[%run_scoped3A_9, %mul3A_8, %dma_wait3A_24] : memref<2x4000x80xi32, #tpu.memory_space<hbm>> -> memref<1x125x80xi32, #tpu.memory_space<hbm>>
      %dma_wait3A_26 = tpu.memref_squeeze %dma_wait3A_25 : memref<1x125x80xi32, #tpu.memory_space<hbm>> -> memref<125x80xi32, #tpu.memory_space<hbm>>
      tpu.wait_dma2 semaphore(%run_scoped3A_16 : memref<!tpu.dma_semaphore, #tpu.memory_space<semaphore_mem>>) src(%dma_wait3A_26 : memref<125x80xi32, #tpu.memory_space<hbm>>) dst(%arg7 : memref<125x80xi32, #tpu.memory_space<vmem>>)
      tpu.yield
    }) : () -> ()
    %barrier3A = arith.constant 0 : index
    tpu.barrier barrier_id(%barrier3A)
    %scan3A_10 = arith.constant 0 : i32
    %scan3A_11 = arith.constant 125 : i32
    %scan3A_12 = arith.addi %scan3A_10, %scan3A_11 : i32
    %scan3A_13 = arith.constant 1 : i32
    scf.for %scan3A_16 = %scan3A_10 to %scan3A_12 step %scan3A_13  : i32 {
      %mul3A_17 = arith.constant 1 : i32
      %mul3A_18 = arith.muli %scan3A_16, %mul3A_17 : i32
      %add3A_19 = arith.constant 0 : i32
      %add3A_20 = arith.addi %add3A_19, %mul3A_18 : i32
      "tpu.region"() ({
        %run_scoped3A_21 = tpu.sem_alloc : memref<!tpu.dma_semaphore, #tpu.memory_space<semaphore_mem>>
        %dma_start3A = arith.constant 0 : i32
        %dma_start3A_22 = tpu.memref_slice %arg6[%add3A_20, %dma_start3A] : memref<125x80xi32, #tpu.memory_space<vmem>> -> memref<1x80xi32, #tpu.memory_space<vmem>>
        %dma_start3A_23 = tpu.memref_squeeze %dma_start3A_22 : memref<1x80xi32, #tpu.memory_space<vmem>> -> memref<80xi32, #tpu.memory_space<vmem>>
        %dma_start3A_24 = arith.constant 0 : i32
        %dma_start3A_25 = tpu.memref_slice %arg9[%dma_start3A_24] : memref<10240xf32, #tpu.memory_space<vmem_shared>> -> memref<10240xf32, #tpu.memory_space<vmem_shared>>
        tpu.enqueue_indirect_dma source(%arg8 : memref<80xf32, #tpu.memory_space<vmem>>) target(%dma_start3A_25 : memref<10240xf32, #tpu.memory_space<vmem_shared>>) offsets(%dma_start3A_23 : memref<80xi32, #tpu.memory_space<vmem>>) semaphore(%run_scoped3A_21 : memref<!tpu.dma_semaphore, #tpu.memory_space<semaphore_mem>>) {add = true}
        %dma_wait3A = arith.constant 0 : i32
        %dma_wait3A_26 = tpu.memref_slice %arg6[%add3A_20, %dma_wait3A] : memref<125x80xi32, #tpu.memory_space<vmem>> -> memref<1x80xi32, #tpu.memory_space<vmem>>
        %dma_wait3A_27 = tpu.memref_squeeze %dma_wait3A_26 : memref<1x80xi32, #tpu.memory_space<vmem>> -> memref<80xi32, #tpu.memory_space<vmem>>
        %dma_wait3A_28 = arith.constant 0 : i32
        %dma_wait3A_29 = tpu.memref_slice %arg9[%dma_wait3A_28] : memref<10240xf32, #tpu.memory_space<vmem_shared>> -> memref<10240xf32, #tpu.memory_space<vmem_shared>>
        tpu.wait_indirect_dma semaphore(%run_scoped3A_21 : memref<!tpu.dma_semaphore, #tpu.memory_space<semaphore_mem>>) src(%arg8 : memref<80xf32, #tpu.memory_space<vmem>>) dst(%dma_wait3A_29 : memref<10240xf32, #tpu.memory_space<vmem_shared>>)
        tpu.yield
      }) : () -> ()
      "tpu.region"() ({
        %run_scoped3A_21 = tpu.sem_alloc : memref<!tpu.dma_semaphore, #tpu.memory_space<semaphore_mem>>
        %dma_start3A = arith.constant 0 : i32
        %dma_start3A_22 = tpu.memref_slice %arg7[%add3A_20, %dma_start3A] : memref<125x80xi32, #tpu.memory_space<vmem>> -> memref<1x80xi32, #tpu.memory_space<vmem>>
        %dma_start3A_23 = tpu.memref_squeeze %dma_start3A_22 : memref<1x80xi32, #tpu.memory_space<vmem>> -> memref<80xi32, #tpu.memory_space<vmem>>
        %dma_start3A_24 = arith.constant 0 : i32
        %dma_start3A_25 = tpu.memref_slice %arg10[%dma_start3A_24] : memref<10240xf32, #tpu.memory_space<vmem_shared>> -> memref<10240xf32, #tpu.memory_space<vmem_shared>>
        tpu.enqueue_indirect_dma source(%arg8 : memref<80xf32, #tpu.memory_space<vmem>>) target(%dma_start3A_25 : memref<10240xf32, #tpu.memory_space<vmem_shared>>) offsets(%dma_start3A_23 : memref<80xi32, #tpu.memory_space<vmem>>) semaphore(%run_scoped3A_21 : memref<!tpu.dma_semaphore, #tpu.memory_space<semaphore_mem>>) {add = true}
        %dma_wait3A = arith.constant 0 : i32
        %dma_wait3A_26 = tpu.memref_slice %arg7[%add3A_20, %dma_wait3A] : memref<125x80xi32, #tpu.memory_space<vmem>> -> memref<1x80xi32, #tpu.memory_space<vmem>>
        %dma_wait3A_27 = tpu.memref_squeeze %dma_wait3A_26 : memref<1x80xi32, #tpu.memory_space<vmem>> -> memref<80xi32, #tpu.memory_space<vmem>>
        %dma_wait3A_28 = arith.constant 0 : i32
        %dma_wait3A_29 = tpu.memref_slice %arg10[%dma_wait3A_28] : memref<10240xf32, #tpu.memory_space<vmem_shared>> -> memref<10240xf32, #tpu.memory_space<vmem_shared>>
        tpu.wait_indirect_dma semaphore(%run_scoped3A_21 : memref<!tpu.dma_semaphore, #tpu.memory_space<semaphore_mem>>) src(%arg8 : memref<80xf32, #tpu.memory_space<vmem>>) dst(%dma_wait3A_29 : memref<10240xf32, #tpu.memory_space<vmem_shared>>)
        tpu.yield
      }) : () -> ()
    }
    %scan3A_14 = arith.constant 125 : i32
    %barrier3A_15 = arith.constant 0 : index
    tpu.barrier barrier_id(%barrier3A_15)
    "tpu.region"() ({
      %run_scoped3A_16 = tpu.sem_alloc : memref<!tpu.dma_semaphore, #tpu.memory_space<semaphore_mem>>
      %dma_start3A = tpu.memref_slice %arg4[%arg0, %mul3A_4] : memref<2x10240xf32, #tpu.memory_space<hbm>> -> memref<1x640xf32, #tpu.memory_space<hbm>>
      %dma_start3A_17 = tpu.memref_squeeze %dma_start3A : memref<1x640xf32, #tpu.memory_space<hbm>> -> memref<640xf32, #tpu.memory_space<hbm>>
      %dma_start3A_18 = tpu.memref_slice %arg9[%mul3A_4] : memref<10240xf32, #tpu.memory_space<vmem_shared>> -> memref<640xf32, #tpu.memory_space<vmem_shared>>
      tpu.enqueue_dma source(%dma_start3A_18 : memref<640xf32, #tpu.memory_space<vmem_shared>>) target(%dma_start3A_17 : memref<640xf32, #tpu.memory_space<hbm>>) target_semaphore(%run_scoped3A_16 : memref<!tpu.dma_semaphore, #tpu.memory_space<semaphore_mem>>)
      %dma_wait3A = tpu.memref_slice %arg4[%arg0, %mul3A_4] : memref<2x10240xf32, #tpu.memory_space<hbm>> -> memref<1x640xf32, #tpu.memory_space<hbm>>
      %dma_wait3A_19 = tpu.memref_squeeze %dma_wait3A : memref<1x640xf32, #tpu.memory_space<hbm>> -> memref<640xf32, #tpu.memory_space<hbm>>
      %dma_wait3A_20 = tpu.memref_slice %arg9[%mul3A_4] : memref<10240xf32, #tpu.memory_space<vmem_shared>> -> memref<640xf32, #tpu.memory_space<vmem_shared>>
      tpu.wait_dma2 semaphore(%run_scoped3A_16 : memref<!tpu.dma_semaphore, #tpu.memory_space<semaphore_mem>>) src(%dma_wait3A_20 : memref<640xf32, #tpu.memory_space<vmem_shared>>) dst(%dma_wait3A_19 : memref<640xf32, #tpu.memory_space<hbm>>)
      tpu.yield
    }) : () -> ()
    "tpu.region"() ({
      %run_scoped3A_16 = tpu.sem_alloc : memref<!tpu.dma_semaphore, #tpu.memory_space<semaphore_mem>>
      %dma_start3A = tpu.memref_slice %arg5[%arg0, %mul3A_4] : memref<2x10240xf32, #tpu.memory_space<hbm>> -> memref<1x640xf32, #tpu.memory_space<hbm>>
      %dma_start3A_17 = tpu.memref_squeeze %dma_start3A : memref<1x640xf32, #tpu.memory_space<hbm>> -> memref<640xf32, #tpu.memory_space<hbm>>
      %dma_start3A_18 = tpu.memref_slice %arg10[%mul3A_4] : memref<10240xf32, #tpu.memory_space<vmem_shared>> -> memref<640xf32, #tpu.memory_space<vmem_shared>>
      tpu.enqueue_dma source(%dma_start3A_18 : memref<640xf32, #tpu.memory_space<vmem_shared>>) target(%dma_start3A_17 : memref<640xf32, #tpu.memory_space<hbm>>) target_semaphore(%run_scoped3A_16 : memref<!tpu.dma_semaphore, #tpu.memory_space<semaphore_mem>>)
      %dma_wait3A = tpu.memref_slice %arg5[%arg0, %mul3A_4] : memref<2x10240xf32, #tpu.memory_space<hbm>> -> memref<1x640xf32, #tpu.memory_space<hbm>>
      %dma_wait3A_19 = tpu.memref_squeeze %dma_wait3A : memref<1x640xf32, #tpu.memory_space<hbm>> -> memref<640xf32, #tpu.memory_space<hbm>>
      %dma_wait3A_20 = tpu.memref_slice %arg10[%mul3A_4] : memref<10240xf32, #tpu.memory_space<vmem_shared>> -> memref<640xf32, #tpu.memory_space<vmem_shared>>
      tpu.wait_dma2 semaphore(%run_scoped3A_16 : memref<!tpu.dma_semaphore, #tpu.memory_space<semaphore_mem>>) src(%dma_wait3A_20 : memref<640xf32, #tpu.memory_space<vmem_shared>>) dst(%dma_wait3A_19 : memref<640xf32, #tpu.memory_space<hbm>>)
      tpu.yield
    }) : () -> ()
    return
  }
}

#map = affine_map<(d0, d1) -> (0, 0)>
#map1 = affine_map<(d0, d1) -> (0, 0, 0)>
module attributes {stable_mosaic.version = 14 : i64} {
  func.func @agg_kernel(%arg0: i32, %arg1: i32, %arg2: memref<10000x128xf32, #tpu.memory_space<hbm>>, %arg3: memref<2x4000x80xi32, #tpu.memory_space<hbm>>, %arg4: memref<625x128xf32, #tpu.memory_space<hbm>>, %arg5: memref<2x10000x128xf32, #tpu.memory_space<hbm>>, %arg6: memref<2x25x80xi32, #tpu.memory_space<vmem>>, %arg7: memref<2x25x80xi32, #tpu.memory_space<vmem>>, %arg8: memref<4x80x128xf32, #tpu.memory_space<vmem>>, %arg9: memref<10000x128xf32, #tpu.memory_space<vmem_shared>>, %arg10: memref<!tpu.dma_semaphore, #tpu.memory_space<semaphore_mem>>, %arg11: memref<!tpu.dma_semaphore, #tpu.memory_space<semaphore_mem>>, %arg12: memref<!tpu.dma_semaphore, #tpu.memory_space<semaphore_mem>>) attributes {dimension_semantics = [#tpu.dimension_semantics<core_parallel>, #tpu.dimension_semantics<subcore_parallel>], iteration_bounds = array<i64: 2, 16>, scalar_prefetch = 0 : i64, scratch_operands = 7 : i64, tpu.core_type = #tpu.core_type<sc_vector_subcore>, window_params = [{transform_indices = #map}, {transform_indices = #map1}, {transform_indices = #map}, {transform_indices = #map1}]} {
    %mul3A = arith.constant 625 : i32
    %mul3A_0 = arith.muli %arg1, %mul3A : i32
    %dma_start3A = arith.constant 0 : i32
    %dma_start3A_1 = tpu.memref_slice %arg9[%mul3A_0, %dma_start3A] : memref<10000x128xf32, #tpu.memory_space<vmem_shared>> -> memref<625x128xf32, #tpu.memory_space<vmem_shared>>
    tpu.enqueue_dma source(%arg4 : memref<625x128xf32, #tpu.memory_space<hbm>>) target(%dma_start3A_1 : memref<625x128xf32, #tpu.memory_space<vmem_shared>>) target_semaphore(%arg11 : memref<!tpu.dma_semaphore, #tpu.memory_space<semaphore_mem>>)
    %mul3A_2 = arith.constant 16 : i32
    %mul3A_3 = arith.muli %arg0, %mul3A_2 : i32
    %add3A = arith.addi %mul3A_3, %arg1 : i32
    %mul3A_4 = arith.constant 125 : i32
    %mul3A_5 = arith.muli %add3A, %mul3A_4 : i32
    %rem3A = arith.constant 0 : i32
    %rem3A_6 = arith.constant 2 : i32
    %rem3A_7 = arith.remsi %rem3A, %rem3A_6 : i32
    %add3A_8 = arith.constant 0 : i32
    %add3A_9 = arith.addi %mul3A_5, %add3A_8 : i32
    %dma_start3A_10 = arith.constant 0 : i32
    %dma_start3A_11 = arith.constant 0 : i32
    %dma_start3A_12 = arith.constant 0 : i32
    %dma_start3A_13 = tpu.memref_slice %arg6[%rem3A_7, %dma_start3A_11, %dma_start3A_12] : memref<2x25x80xi32, #tpu.memory_space<vmem>> -> memref<1x25x80xi32, #tpu.memory_space<vmem>>
    %dma_start3A_14 = tpu.memref_squeeze %dma_start3A_13 : memref<1x25x80xi32, #tpu.memory_space<vmem>> -> memref<25x80xi32, #tpu.memory_space<vmem>>
    %dma_start3A_15 = arith.constant 0 : i32
    %dma_start3A_16 = tpu.memref_slice %arg3[%dma_start3A_10, %add3A_9, %dma_start3A_15] : memref<2x4000x80xi32, #tpu.memory_space<hbm>> -> memref<1x25x80xi32, #tpu.memory_space<hbm>>
    %dma_start3A_17 = tpu.memref_squeeze %dma_start3A_16 : memref<1x25x80xi32, #tpu.memory_space<hbm>> -> memref<25x80xi32, #tpu.memory_space<hbm>>
    %dma_start3A_18 = arith.constant 0 : i32
    %dma_start3A_19 = arith.constant 0 : i32
    %dma_start3A_20 = tpu.memref_slice %arg6[%rem3A_7, %dma_start3A_18, %dma_start3A_19] : memref<2x25x80xi32, #tpu.memory_space<vmem>> -> memref<1x25x80xi32, #tpu.memory_space<vmem>>
    %dma_start3A_21 = tpu.memref_squeeze %dma_start3A_20 : memref<1x25x80xi32, #tpu.memory_space<vmem>> -> memref<25x80xi32, #tpu.memory_space<vmem>>
    %dma_start3A_22 = arith.constant 0 : i32
    %dma_start3A_23 = tpu.memref_slice %arg3[%dma_start3A_10, %add3A_9, %dma_start3A_22] : memref<2x4000x80xi32, #tpu.memory_space<hbm>> -> memref<1x25x80xi32, #tpu.memory_space<hbm>>
    %dma_start3A_24 = tpu.memref_squeeze %dma_start3A_23 : memref<1x25x80xi32, #tpu.memory_space<hbm>> -> memref<25x80xi32, #tpu.memory_space<hbm>>
    tpu.enqueue_dma source(%dma_start3A_24 : memref<25x80xi32, #tpu.memory_space<hbm>>) target(%dma_start3A_21 : memref<25x80xi32, #tpu.memory_space<vmem>>) target_semaphore(%arg12 : memref<!tpu.dma_semaphore, #tpu.memory_space<semaphore_mem>>)
    %add3A_25 = arith.constant 0 : i32
    %add3A_26 = arith.addi %mul3A_5, %add3A_25 : i32
    %dma_start3A_27 = arith.constant 1 : i32
    %dma_start3A_28 = arith.constant 0 : i32
    %dma_start3A_29 = arith.constant 0 : i32
    %dma_start3A_30 = tpu.memref_slice %arg7[%rem3A_7, %dma_start3A_28, %dma_start3A_29] : memref<2x25x80xi32, #tpu.memory_space<vmem>> -> memref<1x25x80xi32, #tpu.memory_space<vmem>>
    %dma_start3A_31 = tpu.memref_squeeze %dma_start3A_30 : memref<1x25x80xi32, #tpu.memory_space<vmem>> -> memref<25x80xi32, #tpu.memory_space<vmem>>
    %dma_start3A_32 = arith.constant 0 : i32
    %dma_start3A_33 = tpu.memref_slice %arg3[%dma_start3A_27, %add3A_26, %dma_start3A_32] : memref<2x4000x80xi32, #tpu.memory_space<hbm>> -> memref<1x25x80xi32, #tpu.memory_space<hbm>>
    %dma_start3A_34 = tpu.memref_squeeze %dma_start3A_33 : memref<1x25x80xi32, #tpu.memory_space<hbm>> -> memref<25x80xi32, #tpu.memory_space<hbm>>
    %dma_start3A_35 = arith.constant 0 : i32
    %dma_start3A_36 = arith.constant 0 : i32
    %dma_start3A_37 = tpu.memref_slice %arg7[%rem3A_7, %dma_start3A_35, %dma_start3A_36] : memref<2x25x80xi32, #tpu.memory_space<vmem>> -> memref<1x25x80xi32, #tpu.memory_space<vmem>>
    %dma_start3A_38 = tpu.memref_squeeze %dma_start3A_37 : memref<1x25x80xi32, #tpu.memory_space<vmem>> -> memref<25x80xi32, #tpu.memory_space<vmem>>
    %dma_start3A_39 = arith.constant 0 : i32
    %dma_start3A_40 = tpu.memref_slice %arg3[%dma_start3A_27, %add3A_26, %dma_start3A_39] : memref<2x4000x80xi32, #tpu.memory_space<hbm>> -> memref<1x25x80xi32, #tpu.memory_space<hbm>>
    %dma_start3A_41 = tpu.memref_squeeze %dma_start3A_40 : memref<1x25x80xi32, #tpu.memory_space<hbm>> -> memref<25x80xi32, #tpu.memory_space<hbm>>
    tpu.enqueue_dma source(%dma_start3A_41 : memref<25x80xi32, #tpu.memory_space<hbm>>) target(%dma_start3A_38 : memref<25x80xi32, #tpu.memory_space<vmem>>) target_semaphore(%arg12 : memref<!tpu.dma_semaphore, #tpu.memory_space<semaphore_mem>>)
    %rem3A_42 = arith.constant 0 : i32
    %rem3A_43 = arith.constant 2 : i32
    %rem3A_44 = arith.remsi %rem3A_42, %rem3A_43 : i32
    %add3A_45 = arith.constant 0 : i32
    %add3A_46 = arith.addi %mul3A_5, %add3A_45 : i32
    %dma_wait3A = arith.constant 0 : i32
    %dma_wait3A_47 = arith.constant 0 : i32
    %dma_wait3A_48 = arith.constant 0 : i32
    %dma_wait3A_49 = tpu.memref_slice %arg6[%rem3A_44, %dma_wait3A_47, %dma_wait3A_48] : memref<2x25x80xi32, #tpu.memory_space<vmem>> -> memref<1x25x80xi32, #tpu.memory_space<vmem>>
    %dma_wait3A_50 = tpu.memref_squeeze %dma_wait3A_49 : memref<1x25x80xi32, #tpu.memory_space<vmem>> -> memref<25x80xi32, #tpu.memory_space<vmem>>
    %dma_wait3A_51 = arith.constant 0 : i32
    %dma_wait3A_52 = tpu.memref_slice %arg3[%dma_wait3A, %add3A_46, %dma_wait3A_51] : memref<2x4000x80xi32, #tpu.memory_space<hbm>> -> memref<1x25x80xi32, #tpu.memory_space<hbm>>
    %dma_wait3A_53 = tpu.memref_squeeze %dma_wait3A_52 : memref<1x25x80xi32, #tpu.memory_space<hbm>> -> memref<25x80xi32, #tpu.memory_space<hbm>>
    %dma_wait3A_54 = arith.constant 0 : i32
    %dma_wait3A_55 = arith.constant 0 : i32
    %dma_wait3A_56 = tpu.memref_slice %arg6[%rem3A_44, %dma_wait3A_54, %dma_wait3A_55] : memref<2x25x80xi32, #tpu.memory_space<vmem>> -> memref<1x25x80xi32, #tpu.memory_space<vmem>>
    %dma_wait3A_57 = tpu.memref_squeeze %dma_wait3A_56 : memref<1x25x80xi32, #tpu.memory_space<vmem>> -> memref<25x80xi32, #tpu.memory_space<vmem>>
    %dma_wait3A_58 = arith.constant 0 : i32
    %dma_wait3A_59 = tpu.memref_slice %arg3[%dma_wait3A, %add3A_46, %dma_wait3A_58] : memref<2x4000x80xi32, #tpu.memory_space<hbm>> -> memref<1x25x80xi32, #tpu.memory_space<hbm>>
    %dma_wait3A_60 = tpu.memref_squeeze %dma_wait3A_59 : memref<1x25x80xi32, #tpu.memory_space<hbm>> -> memref<25x80xi32, #tpu.memory_space<hbm>>
    tpu.wait_dma2 semaphore(%arg12 : memref<!tpu.dma_semaphore, #tpu.memory_space<semaphore_mem>>) src(%dma_wait3A_60 : memref<25x80xi32, #tpu.memory_space<hbm>>) dst(%dma_wait3A_57 : memref<25x80xi32, #tpu.memory_space<vmem>>)
    %add3A_61 = arith.constant 0 : i32
    %add3A_62 = arith.addi %mul3A_5, %add3A_61 : i32
    %dma_wait3A_63 = arith.constant 1 : i32
    %dma_wait3A_64 = arith.constant 0 : i32
    %dma_wait3A_65 = arith.constant 0 : i32
    %dma_wait3A_66 = tpu.memref_slice %arg7[%rem3A_44, %dma_wait3A_64, %dma_wait3A_65] : memref<2x25x80xi32, #tpu.memory_space<vmem>> -> memref<1x25x80xi32, #tpu.memory_space<vmem>>
    %dma_wait3A_67 = tpu.memref_squeeze %dma_wait3A_66 : memref<1x25x80xi32, #tpu.memory_space<vmem>> -> memref<25x80xi32, #tpu.memory_space<vmem>>
    %dma_wait3A_68 = arith.constant 0 : i32
    %dma_wait3A_69 = tpu.memref_slice %arg3[%dma_wait3A_63, %add3A_62, %dma_wait3A_68] : memref<2x4000x80xi32, #tpu.memory_space<hbm>> -> memref<1x25x80xi32, #tpu.memory_space<hbm>>
    %dma_wait3A_70 = tpu.memref_squeeze %dma_wait3A_69 : memref<1x25x80xi32, #tpu.memory_space<hbm>> -> memref<25x80xi32, #tpu.memory_space<hbm>>
    %dma_wait3A_71 = arith.constant 0 : i32
    %dma_wait3A_72 = arith.constant 0 : i32
    %dma_wait3A_73 = tpu.memref_slice %arg7[%rem3A_44, %dma_wait3A_71, %dma_wait3A_72] : memref<2x25x80xi32, #tpu.memory_space<vmem>> -> memref<1x25x80xi32, #tpu.memory_space<vmem>>
    %dma_wait3A_74 = tpu.memref_squeeze %dma_wait3A_73 : memref<1x25x80xi32, #tpu.memory_space<vmem>> -> memref<25x80xi32, #tpu.memory_space<vmem>>
    %dma_wait3A_75 = arith.constant 0 : i32
    %dma_wait3A_76 = tpu.memref_slice %arg3[%dma_wait3A_63, %add3A_62, %dma_wait3A_75] : memref<2x4000x80xi32, #tpu.memory_space<hbm>> -> memref<1x25x80xi32, #tpu.memory_space<hbm>>
    %dma_wait3A_77 = tpu.memref_squeeze %dma_wait3A_76 : memref<1x25x80xi32, #tpu.memory_space<hbm>> -> memref<25x80xi32, #tpu.memory_space<hbm>>
    tpu.wait_dma2 semaphore(%arg12 : memref<!tpu.dma_semaphore, #tpu.memory_space<semaphore_mem>>) src(%dma_wait3A_77 : memref<25x80xi32, #tpu.memory_space<hbm>>) dst(%dma_wait3A_74 : memref<25x80xi32, #tpu.memory_space<vmem>>)
    %rem3A_78 = arith.constant 1 : i32
    %rem3A_79 = arith.constant 2 : i32
    %rem3A_80 = arith.remsi %rem3A_78, %rem3A_79 : i32
    %add3A_81 = arith.constant 25 : i32
    %add3A_82 = arith.addi %mul3A_5, %add3A_81 : i32
    %dma_start3A_83 = arith.constant 0 : i32
    %dma_start3A_84 = arith.constant 0 : i32
    %dma_start3A_85 = arith.constant 0 : i32
    %dma_start3A_86 = tpu.memref_slice %arg6[%rem3A_80, %dma_start3A_84, %dma_start3A_85] : memref<2x25x80xi32, #tpu.memory_space<vmem>> -> memref<1x25x80xi32, #tpu.memory_space<vmem>>
    %dma_start3A_87 = tpu.memref_squeeze %dma_start3A_86 : memref<1x25x80xi32, #tpu.memory_space<vmem>> -> memref<25x80xi32, #tpu.memory_space<vmem>>
    %dma_start3A_88 = arith.constant 0 : i32
    %dma_start3A_89 = tpu.memref_slice %arg3[%dma_start3A_83, %add3A_82, %dma_start3A_88] : memref<2x4000x80xi32, #tpu.memory_space<hbm>> -> memref<1x25x80xi32, #tpu.memory_space<hbm>>
    %dma_start3A_90 = tpu.memref_squeeze %dma_start3A_89 : memref<1x25x80xi32, #tpu.memory_space<hbm>> -> memref<25x80xi32, #tpu.memory_space<hbm>>
    %dma_start3A_91 = arith.constant 0 : i32
    %dma_start3A_92 = arith.constant 0 : i32
    %dma_start3A_93 = tpu.memref_slice %arg6[%rem3A_80, %dma_start3A_91, %dma_start3A_92] : memref<2x25x80xi32, #tpu.memory_space<vmem>> -> memref<1x25x80xi32, #tpu.memory_space<vmem>>
    %dma_start3A_94 = tpu.memref_squeeze %dma_start3A_93 : memref<1x25x80xi32, #tpu.memory_space<vmem>> -> memref<25x80xi32, #tpu.memory_space<vmem>>
    %dma_start3A_95 = arith.constant 0 : i32
    %dma_start3A_96 = tpu.memref_slice %arg3[%dma_start3A_83, %add3A_82, %dma_start3A_95] : memref<2x4000x80xi32, #tpu.memory_space<hbm>> -> memref<1x25x80xi32, #tpu.memory_space<hbm>>
    %dma_start3A_97 = tpu.memref_squeeze %dma_start3A_96 : memref<1x25x80xi32, #tpu.memory_space<hbm>> -> memref<25x80xi32, #tpu.memory_space<hbm>>
    tpu.enqueue_dma source(%dma_start3A_97 : memref<25x80xi32, #tpu.memory_space<hbm>>) target(%dma_start3A_94 : memref<25x80xi32, #tpu.memory_space<vmem>>) target_semaphore(%arg12 : memref<!tpu.dma_semaphore, #tpu.memory_space<semaphore_mem>>)
    %add3A_98 = arith.constant 25 : i32
    %add3A_99 = arith.addi %mul3A_5, %add3A_98 : i32
    %dma_start3A_100 = arith.constant 1 : i32
    %dma_start3A_101 = arith.constant 0 : i32
    %dma_start3A_102 = arith.constant 0 : i32
    %dma_start3A_103 = tpu.memref_slice %arg7[%rem3A_80, %dma_start3A_101, %dma_start3A_102] : memref<2x25x80xi32, #tpu.memory_space<vmem>> -> memref<1x25x80xi32, #tpu.memory_space<vmem>>
    %dma_start3A_104 = tpu.memref_squeeze %dma_start3A_103 : memref<1x25x80xi32, #tpu.memory_space<vmem>> -> memref<25x80xi32, #tpu.memory_space<vmem>>
    %dma_start3A_105 = arith.constant 0 : i32
    %dma_start3A_106 = tpu.memref_slice %arg3[%dma_start3A_100, %add3A_99, %dma_start3A_105] : memref<2x4000x80xi32, #tpu.memory_space<hbm>> -> memref<1x25x80xi32, #tpu.memory_space<hbm>>
    %dma_start3A_107 = tpu.memref_squeeze %dma_start3A_106 : memref<1x25x80xi32, #tpu.memory_space<hbm>> -> memref<25x80xi32, #tpu.memory_space<hbm>>
    %dma_start3A_108 = arith.constant 0 : i32
    %dma_start3A_109 = arith.constant 0 : i32
    %dma_start3A_110 = tpu.memref_slice %arg7[%rem3A_80, %dma_start3A_108, %dma_start3A_109] : memref<2x25x80xi32, #tpu.memory_space<vmem>> -> memref<1x25x80xi32, #tpu.memory_space<vmem>>
    %dma_start3A_111 = tpu.memref_squeeze %dma_start3A_110 : memref<1x25x80xi32, #tpu.memory_space<vmem>> -> memref<25x80xi32, #tpu.memory_space<vmem>>
    %dma_start3A_112 = arith.constant 0 : i32
    %dma_start3A_113 = tpu.memref_slice %arg3[%dma_start3A_100, %add3A_99, %dma_start3A_112] : memref<2x4000x80xi32, #tpu.memory_space<hbm>> -> memref<1x25x80xi32, #tpu.memory_space<hbm>>
    %dma_start3A_114 = tpu.memref_squeeze %dma_start3A_113 : memref<1x25x80xi32, #tpu.memory_space<hbm>> -> memref<25x80xi32, #tpu.memory_space<hbm>>
    tpu.enqueue_dma source(%dma_start3A_114 : memref<25x80xi32, #tpu.memory_space<hbm>>) target(%dma_start3A_111 : memref<25x80xi32, #tpu.memory_space<vmem>>) target_semaphore(%arg12 : memref<!tpu.dma_semaphore, #tpu.memory_space<semaphore_mem>>)
    %dma_wait3A_115 = arith.constant 0 : i32
    %dma_wait3A_116 = tpu.memref_slice %arg9[%mul3A_0, %dma_wait3A_115] : memref<10000x128xf32, #tpu.memory_space<vmem_shared>> -> memref<625x128xf32, #tpu.memory_space<vmem_shared>>
    tpu.wait_dma2 semaphore(%arg11 : memref<!tpu.dma_semaphore, #tpu.memory_space<semaphore_mem>>) src(%arg4 : memref<625x128xf32, #tpu.memory_space<hbm>>) dst(%dma_wait3A_116 : memref<625x128xf32, #tpu.memory_space<vmem_shared>>)
    %barrier3A = arith.constant 0 : index
    tpu.barrier barrier_id(%barrier3A)
    %scan3A = arith.constant 0 : i32
    %scan3A_117 = arith.constant 3 : i32
    %scan3A_118 = arith.addi %scan3A, %scan3A_117 : i32
    %scan3A_119 = arith.constant 1 : i32
    scf.for %scan3A_146 = %scan3A to %scan3A_118 step %scan3A_119  : i32 {
      %mul3A_147 = arith.constant 1 : i32
      %mul3A_148 = arith.muli %scan3A_146, %mul3A_147 : i32
      %add3A_149 = arith.constant 0 : i32
      %add3A_150 = arith.addi %add3A_149, %mul3A_148 : i32
      %jit3A = arith.constant 25 : i32
      %div3A = arith.divsi %add3A_150, %jit3A : i32
      %sign3A = arith.constant 0 : i32
      %sign3A_151 = arith.cmpi sgt, %add3A_150, %sign3A : i32
      %sign3A_152 = arith.extui %sign3A_151 : i1 to i32
      %sign3A_153 = arith.constant 0 : i32
      %sign3A_154 = arith.cmpi slt, %add3A_150, %sign3A_153 : i32
      %sign3A_155 = arith.extui %sign3A_154 : i1 to i32
      %sign3A_156 = arith.subi %sign3A_152, %sign3A_155 : i32
      %sign3A_157 = arith.constant 0 : i32
      %sign3A_158 = arith.cmpi sgt, %jit3A, %sign3A_157 : i32
      %sign3A_159 = arith.extui %sign3A_158 : i1 to i32
      %sign3A_160 = arith.constant 0 : i32
      %sign3A_161 = arith.cmpi slt, %jit3A, %sign3A_160 : i32
      %sign3A_162 = arith.extui %sign3A_161 : i1 to i32
      %sign3A_163 = arith.subi %sign3A_159, %sign3A_162 : i32
      %ne3A = arith.cmpi ne, %sign3A_156, %sign3A_163 : i32
      %rem3A_164 = arith.remsi %add3A_150, %jit3A : i32
      %ne3A_165 = arith.constant 0 : i32
      %ne3A_166 = arith.cmpi ne, %rem3A_164, %ne3A_165 : i32
      %and3A = arith.andi %ne3A, %ne3A_166 : i1
      %sub3A = arith.constant 1 : i32
      %sub3A_167 = arith.subi %div3A, %sub3A : i32
      %select_n3A = arith.select %and3A, %sub3A_167, %div3A : i32
      %rem3A_168 = arith.constant 2 : i32
      %rem3A_169 = arith.remsi %select_n3A, %rem3A_168 : i32
      %rem3A_170 = arith.constant 25 : i32
      %rem3A_171 = arith.remsi %add3A_150, %rem3A_170 : i32
      %dma_start3A_172 = arith.constant 0 : i32
      %dma_start3A_173 = arith.constant 0 : i32
      %dma_start3A_174 = tpu.memref_slice %arg8[%add3A_150, %dma_start3A_172, %dma_start3A_173] : memref<4x80x128xf32, #tpu.memory_space<vmem>> -> memref<1x80x128xf32, #tpu.memory_space<vmem>>
      %dma_start3A_175 = tpu.memref_squeeze %dma_start3A_174 : memref<1x80x128xf32, #tpu.memory_space<vmem>> -> memref<80x128xf32, #tpu.memory_space<vmem>>
      %dma_start3A_176 = arith.constant 0 : i32
      %dma_start3A_177 = tpu.memref_slice %arg6[%rem3A_169, %rem3A_171, %dma_start3A_176] : memref<2x25x80xi32, #tpu.memory_space<vmem>> -> memref<1x1x80xi32, #tpu.memory_space<vmem>>
      %dma_start3A_178 = tpu.memref_squeeze %dma_start3A_177 : memref<1x1x80xi32, #tpu.memory_space<vmem>> -> memref<80xi32, #tpu.memory_space<vmem>>
      %dma_start3A_179 = arith.constant 0 : i32
      %dma_start3A_180 = arith.constant 0 : i32
      %dma_start3A_181 = tpu.memref_slice %arg2[%dma_start3A_179, %dma_start3A_180] : memref<10000x128xf32, #tpu.memory_space<hbm>> -> memref<10000x128xf32, #tpu.memory_space<hbm>>
      tpu.enqueue_indirect_dma source(%dma_start3A_181 : memref<10000x128xf32, #tpu.memory_space<hbm>>) target(%dma_start3A_175 : memref<80x128xf32, #tpu.memory_space<vmem>>) offsets(%dma_start3A_178 : memref<80xi32, #tpu.memory_space<vmem>>) semaphore(%arg10 : memref<!tpu.dma_semaphore, #tpu.memory_space<semaphore_mem>>)
    }
    %scan3A_120 = arith.constant 3 : i32
    %scan3A_121 = arith.constant 0 : i32
    %scan3A_122 = arith.constant 125 : i32
    %scan3A_123 = arith.addi %scan3A_121, %scan3A_122 : i32
    %scan3A_124 = arith.constant 1 : i32
    scf.for %scan3A_146 = %scan3A_121 to %scan3A_123 step %scan3A_124  : i32 {
      %mul3A_147 = arith.constant 1 : i32
      %mul3A_148 = arith.muli %scan3A_146, %mul3A_147 : i32
      %add3A_149 = arith.constant 0 : i32
      %add3A_150 = arith.addi %add3A_149, %mul3A_148 : i32
      %rem3A_151 = arith.constant 4 : i32
      %rem3A_152 = arith.remsi %add3A_150, %rem3A_151 : i32
      %jit3A = arith.constant 25 : i32
      %div3A = arith.divsi %add3A_150, %jit3A : i32
      %sign3A = arith.constant 0 : i32
      %sign3A_153 = arith.cmpi sgt, %add3A_150, %sign3A : i32
      %sign3A_154 = arith.extui %sign3A_153 : i1 to i32
      %sign3A_155 = arith.constant 0 : i32
      %sign3A_156 = arith.cmpi slt, %add3A_150, %sign3A_155 : i32
      %sign3A_157 = arith.extui %sign3A_156 : i1 to i32
      %sign3A_158 = arith.subi %sign3A_154, %sign3A_157 : i32
      %sign3A_159 = arith.constant 0 : i32
      %sign3A_160 = arith.cmpi sgt, %jit3A, %sign3A_159 : i32
      %sign3A_161 = arith.extui %sign3A_160 : i1 to i32
      %sign3A_162 = arith.constant 0 : i32
      %sign3A_163 = arith.cmpi slt, %jit3A, %sign3A_162 : i32
      %sign3A_164 = arith.extui %sign3A_163 : i1 to i32
      %sign3A_165 = arith.subi %sign3A_161, %sign3A_164 : i32
      %ne3A = arith.cmpi ne, %sign3A_158, %sign3A_165 : i32
      %rem3A_166 = arith.remsi %add3A_150, %jit3A : i32
      %ne3A_167 = arith.constant 0 : i32
      %ne3A_168 = arith.cmpi ne, %rem3A_166, %ne3A_167 : i32
      %and3A = arith.andi %ne3A, %ne3A_168 : i1
      %sub3A = arith.constant 1 : i32
      %sub3A_169 = arith.subi %div3A, %sub3A : i32
      %select_n3A = arith.select %and3A, %sub3A_169, %div3A : i32
      %rem3A_170 = arith.constant 2 : i32
      %rem3A_171 = arith.remsi %select_n3A, %rem3A_170 : i32
      %rem3A_172 = arith.constant 25 : i32
      %rem3A_173 = arith.remsi %add3A_150, %rem3A_172 : i32
      %dma_wait3A_174 = arith.constant 0 : i32
      %dma_wait3A_175 = arith.constant 0 : i32
      %dma_wait3A_176 = tpu.memref_slice %arg8[%rem3A_152, %dma_wait3A_174, %dma_wait3A_175] : memref<4x80x128xf32, #tpu.memory_space<vmem>> -> memref<1x80x128xf32, #tpu.memory_space<vmem>>
      %dma_wait3A_177 = tpu.memref_squeeze %dma_wait3A_176 : memref<1x80x128xf32, #tpu.memory_space<vmem>> -> memref<80x128xf32, #tpu.memory_space<vmem>>
      %dma_wait3A_178 = arith.constant 0 : i32
      %dma_wait3A_179 = tpu.memref_slice %arg6[%rem3A_171, %rem3A_173, %dma_wait3A_178] : memref<2x25x80xi32, #tpu.memory_space<vmem>> -> memref<1x1x80xi32, #tpu.memory_space<vmem>>
      %dma_wait3A_180 = tpu.memref_squeeze %dma_wait3A_179 : memref<1x1x80xi32, #tpu.memory_space<vmem>> -> memref<80xi32, #tpu.memory_space<vmem>>
      %dma_wait3A_181 = arith.constant 0 : i32
      %dma_wait3A_182 = arith.constant 0 : i32
      %dma_wait3A_183 = tpu.memref_slice %arg2[%dma_wait3A_181, %dma_wait3A_182] : memref<10000x128xf32, #tpu.memory_space<hbm>> -> memref<10000x128xf32, #tpu.memory_space<hbm>>
      tpu.wait_indirect_dma semaphore(%arg10 : memref<!tpu.dma_semaphore, #tpu.memory_space<semaphore_mem>>) src(%dma_wait3A_183 : memref<10000x128xf32, #tpu.memory_space<hbm>>) dst(%dma_wait3A_177 : memref<80x128xf32, #tpu.memory_space<vmem>>)
      %ge3A = arith.constant 1 : i32
      %ge3A_184 = arith.cmpi sge, %add3A_150, %ge3A : i32
      %convert_element_type3A = arith.extui %ge3A_184 : i1 to i32
      %cond3A = arith.constant 0 : i32
      %cond3A_185 = arith.cmpi ne, %convert_element_type3A, %cond3A : i32
      scf.if %cond3A_185 {
        %add3A_280 = arith.constant 4 : i32
        %add3A_281 = arith.addi %add3A_150, %add3A_280 : i32
        %sub3A_282 = arith.constant 1 : i32
        %sub3A_283 = arith.subi %add3A_281, %sub3A_282 : i32
        %rem3A_284 = arith.constant 4 : i32
        %rem3A_285 = arith.remsi %sub3A_283, %rem3A_284 : i32
        %sub3A_286 = arith.constant 1 : i32
        %sub3A_287 = arith.subi %add3A_150, %sub3A_286 : i32
        %jit3A_288 = arith.constant 25 : i32
        %div3A_289 = arith.divsi %sub3A_287, %jit3A_288 : i32
        %sign3A_290 = arith.constant 0 : i32
        %sign3A_291 = arith.cmpi sgt, %sub3A_287, %sign3A_290 : i32
        %sign3A_292 = arith.extui %sign3A_291 : i1 to i32
        %sign3A_293 = arith.constant 0 : i32
        %sign3A_294 = arith.cmpi slt, %sub3A_287, %sign3A_293 : i32
        %sign3A_295 = arith.extui %sign3A_294 : i1 to i32
        %sign3A_296 = arith.subi %sign3A_292, %sign3A_295 : i32
        %sign3A_297 = arith.constant 0 : i32
        %sign3A_298 = arith.cmpi sgt, %jit3A_288, %sign3A_297 : i32
        %sign3A_299 = arith.extui %sign3A_298 : i1 to i32
        %sign3A_300 = arith.constant 0 : i32
        %sign3A_301 = arith.cmpi slt, %jit3A_288, %sign3A_300 : i32
        %sign3A_302 = arith.extui %sign3A_301 : i1 to i32
        %sign3A_303 = arith.subi %sign3A_299, %sign3A_302 : i32
        %ne3A_304 = arith.cmpi ne, %sign3A_296, %sign3A_303 : i32
        %rem3A_305 = arith.remsi %sub3A_287, %jit3A_288 : i32
        %ne3A_306 = arith.constant 0 : i32
        %ne3A_307 = arith.cmpi ne, %rem3A_305, %ne3A_306 : i32
        %and3A_308 = arith.andi %ne3A_304, %ne3A_307 : i1
        %sub3A_309 = arith.constant 1 : i32
        %sub3A_310 = arith.subi %div3A_289, %sub3A_309 : i32
        %select_n3A_311 = arith.select %and3A_308, %sub3A_310, %div3A_289 : i32
        %rem3A_312 = arith.constant 2 : i32
        %rem3A_313 = arith.remsi %select_n3A_311, %rem3A_312 : i32
        %rem3A_314 = arith.constant 25 : i32
        %rem3A_315 = arith.remsi %sub3A_287, %rem3A_314 : i32
        %dma_wait3A_316 = arith.constant 0 : i32
        %dma_wait3A_317 = arith.constant 0 : i32
        %dma_wait3A_318 = tpu.memref_slice %arg8[%rem3A_285, %dma_wait3A_316, %dma_wait3A_317] : memref<4x80x128xf32, #tpu.memory_space<vmem>> -> memref<1x80x128xf32, #tpu.memory_space<vmem>>
        %dma_wait3A_319 = tpu.memref_squeeze %dma_wait3A_318 : memref<1x80x128xf32, #tpu.memory_space<vmem>> -> memref<80x128xf32, #tpu.memory_space<vmem>>
        %dma_wait3A_320 = arith.constant 0 : i32
        %dma_wait3A_321 = tpu.memref_slice %arg7[%rem3A_313, %rem3A_315, %dma_wait3A_320] : memref<2x25x80xi32, #tpu.memory_space<vmem>> -> memref<1x1x80xi32, #tpu.memory_space<vmem>>
        %dma_wait3A_322 = tpu.memref_squeeze %dma_wait3A_321 : memref<1x1x80xi32, #tpu.memory_space<vmem>> -> memref<80xi32, #tpu.memory_space<vmem>>
        %dma_wait3A_323 = arith.constant 0 : i32
        %dma_wait3A_324 = arith.constant 0 : i32
        %dma_wait3A_325 = tpu.memref_slice %arg9[%dma_wait3A_323, %dma_wait3A_324] : memref<10000x128xf32, #tpu.memory_space<vmem_shared>> -> memref<10000x128xf32, #tpu.memory_space<vmem_shared>>
        tpu.wait_indirect_dma semaphore(%arg11 : memref<!tpu.dma_semaphore, #tpu.memory_space<semaphore_mem>>) src(%dma_wait3A_319 : memref<80x128xf32, #tpu.memory_space<vmem>>) dst(%dma_wait3A_325 : memref<10000x128xf32, #tpu.memory_space<vmem_shared>>)
      } else {
      }
      %jit3A_186 = arith.constant 25 : i32
      %div3A_187 = arith.divsi %add3A_150, %jit3A_186 : i32
      %sign3A_188 = arith.constant 0 : i32
      %sign3A_189 = arith.cmpi sgt, %add3A_150, %sign3A_188 : i32
      %sign3A_190 = arith.extui %sign3A_189 : i1 to i32
      %sign3A_191 = arith.constant 0 : i32
      %sign3A_192 = arith.cmpi slt, %add3A_150, %sign3A_191 : i32
      %sign3A_193 = arith.extui %sign3A_192 : i1 to i32
      %sign3A_194 = arith.subi %sign3A_190, %sign3A_193 : i32
      %sign3A_195 = arith.constant 0 : i32
      %sign3A_196 = arith.cmpi sgt, %jit3A_186, %sign3A_195 : i32
      %sign3A_197 = arith.extui %sign3A_196 : i1 to i32
      %sign3A_198 = arith.constant 0 : i32
      %sign3A_199 = arith.cmpi slt, %jit3A_186, %sign3A_198 : i32
      %sign3A_200 = arith.extui %sign3A_199 : i1 to i32
      %sign3A_201 = arith.subi %sign3A_197, %sign3A_200 : i32
      %ne3A_202 = arith.cmpi ne, %sign3A_194, %sign3A_201 : i32
      %rem3A_203 = arith.remsi %add3A_150, %jit3A_186 : i32
      %ne3A_204 = arith.constant 0 : i32
      %ne3A_205 = arith.cmpi ne, %rem3A_203, %ne3A_204 : i32
      %and3A_206 = arith.andi %ne3A_202, %ne3A_205 : i1
      %sub3A_207 = arith.constant 1 : i32
      %sub3A_208 = arith.subi %div3A_187, %sub3A_207 : i32
      %select_n3A_209 = arith.select %and3A_206, %sub3A_208, %div3A_187 : i32
      %rem3A_210 = arith.constant 2 : i32
      %rem3A_211 = arith.remsi %select_n3A_209, %rem3A_210 : i32
      %rem3A_212 = arith.constant 25 : i32
      %rem3A_213 = arith.remsi %add3A_150, %rem3A_212 : i32
      %dma_start3A_214 = arith.constant 0 : i32
      %dma_start3A_215 = arith.constant 0 : i32
      %dma_start3A_216 = tpu.memref_slice %arg8[%rem3A_152, %dma_start3A_214, %dma_start3A_215] : memref<4x80x128xf32, #tpu.memory_space<vmem>> -> memref<1x80x128xf32, #tpu.memory_space<vmem>>
      %dma_start3A_217 = tpu.memref_squeeze %dma_start3A_216 : memref<1x80x128xf32, #tpu.memory_space<vmem>> -> memref<80x128xf32, #tpu.memory_space<vmem>>
      %dma_start3A_218 = arith.constant 0 : i32
      %dma_start3A_219 = tpu.memref_slice %arg7[%rem3A_211, %rem3A_213, %dma_start3A_218] : memref<2x25x80xi32, #tpu.memory_space<vmem>> -> memref<1x1x80xi32, #tpu.memory_space<vmem>>
      %dma_start3A_220 = tpu.memref_squeeze %dma_start3A_219 : memref<1x1x80xi32, #tpu.memory_space<vmem>> -> memref<80xi32, #tpu.memory_space<vmem>>
      %dma_start3A_221 = arith.constant 0 : i32
      %dma_start3A_222 = arith.constant 0 : i32
      %dma_start3A_223 = tpu.memref_slice %arg9[%dma_start3A_221, %dma_start3A_222] : memref<10000x128xf32, #tpu.memory_space<vmem_shared>> -> memref<10000x128xf32, #tpu.memory_space<vmem_shared>>
      tpu.enqueue_indirect_dma source(%dma_start3A_217 : memref<80x128xf32, #tpu.memory_space<vmem>>) target(%dma_start3A_223 : memref<10000x128xf32, #tpu.memory_space<vmem_shared>>) offsets(%dma_start3A_220 : memref<80xi32, #tpu.memory_space<vmem>>) semaphore(%arg11 : memref<!tpu.dma_semaphore, #tpu.memory_space<semaphore_mem>>) {add = true}
      %add3A_224 = arith.constant 4 : i32
      %add3A_225 = arith.addi %add3A_150, %add3A_224 : i32
      %sub3A_226 = arith.constant 1 : i32
      %sub3A_227 = arith.subi %add3A_225, %sub3A_226 : i32
      %lt3A = arith.constant 125 : i32
      %lt3A_228 = arith.cmpi slt, %sub3A_227, %lt3A : i32
      %convert_element_type3A_229 = arith.extui %lt3A_228 : i1 to i32
      %cond3A_230 = arith.constant 0 : i32
      %cond3A_231 = arith.cmpi ne, %convert_element_type3A_229, %cond3A_230 : i32
      scf.if %cond3A_231 {
        %add3A_280 = arith.constant 4 : i32
        %add3A_281 = arith.addi %add3A_150, %add3A_280 : i32
        %sub3A_282 = arith.constant 1 : i32
        %sub3A_283 = arith.subi %add3A_281, %sub3A_282 : i32
        %jit3A_284 = arith.constant 25 : i32
        %div3A_285 = arith.divsi %sub3A_283, %jit3A_284 : i32
        %sign3A_286 = arith.constant 0 : i32
        %sign3A_287 = arith.cmpi sgt, %sub3A_283, %sign3A_286 : i32
        %sign3A_288 = arith.extui %sign3A_287 : i1 to i32
        %sign3A_289 = arith.constant 0 : i32
        %sign3A_290 = arith.cmpi slt, %sub3A_283, %sign3A_289 : i32
        %sign3A_291 = arith.extui %sign3A_290 : i1 to i32
        %sign3A_292 = arith.subi %sign3A_288, %sign3A_291 : i32
        %sign3A_293 = arith.constant 0 : i32
        %sign3A_294 = arith.cmpi sgt, %jit3A_284, %sign3A_293 : i32
        %sign3A_295 = arith.extui %sign3A_294 : i1 to i32
        %sign3A_296 = arith.constant 0 : i32
        %sign3A_297 = arith.cmpi slt, %jit3A_284, %sign3A_296 : i32
        %sign3A_298 = arith.extui %sign3A_297 : i1 to i32
        %sign3A_299 = arith.subi %sign3A_295, %sign3A_298 : i32
        %ne3A_300 = arith.cmpi ne, %sign3A_292, %sign3A_299 : i32
        %rem3A_301 = arith.remsi %sub3A_283, %jit3A_284 : i32
        %ne3A_302 = arith.constant 0 : i32
        %ne3A_303 = arith.cmpi ne, %rem3A_301, %ne3A_302 : i32
        %and3A_304 = arith.andi %ne3A_300, %ne3A_303 : i1
        %sub3A_305 = arith.constant 1 : i32
        %sub3A_306 = arith.subi %div3A_285, %sub3A_305 : i32
        %select_n3A_307 = arith.select %and3A_304, %sub3A_306, %div3A_285 : i32
        %rem3A_308 = arith.constant 2 : i32
        %rem3A_309 = arith.remsi %select_n3A_307, %rem3A_308 : i32
        %rem3A_310 = arith.constant 25 : i32
        %rem3A_311 = arith.remsi %sub3A_283, %rem3A_310 : i32
        %add3A_312 = arith.constant 4 : i32
        %add3A_313 = arith.addi %add3A_150, %add3A_312 : i32
        %sub3A_314 = arith.constant 1 : i32
        %sub3A_315 = arith.subi %add3A_313, %sub3A_314 : i32
        %rem3A_316 = arith.constant 4 : i32
        %rem3A_317 = arith.remsi %sub3A_315, %rem3A_316 : i32
        %dma_start3A_318 = arith.constant 0 : i32
        %dma_start3A_319 = arith.constant 0 : i32
        %dma_start3A_320 = tpu.memref_slice %arg8[%rem3A_317, %dma_start3A_318, %dma_start3A_319] : memref<4x80x128xf32, #tpu.memory_space<vmem>> -> memref<1x80x128xf32, #tpu.memory_space<vmem>>
        %dma_start3A_321 = tpu.memref_squeeze %dma_start3A_320 : memref<1x80x128xf32, #tpu.memory_space<vmem>> -> memref<80x128xf32, #tpu.memory_space<vmem>>
        %dma_start3A_322 = arith.constant 0 : i32
        %dma_start3A_323 = tpu.memref_slice %arg6[%rem3A_309, %rem3A_311, %dma_start3A_322] : memref<2x25x80xi32, #tpu.memory_space<vmem>> -> memref<1x1x80xi32, #tpu.memory_space<vmem>>
        %dma_start3A_324 = tpu.memref_squeeze %dma_start3A_323 : memref<1x1x80xi32, #tpu.memory_space<vmem>> -> memref<80xi32, #tpu.memory_space<vmem>>
        %dma_start3A_325 = arith.constant 0 : i32
        %dma_start3A_326 = arith.constant 0 : i32
        %dma_start3A_327 = tpu.memref_slice %arg2[%dma_start3A_325, %dma_start3A_326] : memref<10000x128xf32, #tpu.memory_space<hbm>> -> memref<10000x128xf32, #tpu.memory_space<hbm>>
        tpu.enqueue_indirect_dma source(%dma_start3A_327 : memref<10000x128xf32, #tpu.memory_space<hbm>>) target(%dma_start3A_321 : memref<80x128xf32, #tpu.memory_space<vmem>>) offsets(%dma_start3A_324 : memref<80xi32, #tpu.memory_space<vmem>>) semaphore(%arg10 : memref<!tpu.dma_semaphore, #tpu.memory_space<semaphore_mem>>)
      } else {
      }
      %jit3A_232 = arith.constant 25 : i32
      %div3A_233 = arith.divsi %add3A_150, %jit3A_232 : i32
      %sign3A_234 = arith.constant 0 : i32
      %sign3A_235 = arith.cmpi sgt, %add3A_150, %sign3A_234 : i32
      %sign3A_236 = arith.extui %sign3A_235 : i1 to i32
      %sign3A_237 = arith.constant 0 : i32
      %sign3A_238 = arith.cmpi slt, %add3A_150, %sign3A_237 : i32
      %sign3A_239 = arith.extui %sign3A_238 : i1 to i32
      %sign3A_240 = arith.subi %sign3A_236, %sign3A_239 : i32
      %sign3A_241 = arith.constant 0 : i32
      %sign3A_242 = arith.cmpi sgt, %jit3A_232, %sign3A_241 : i32
      %sign3A_243 = arith.extui %sign3A_242 : i1 to i32
      %sign3A_244 = arith.constant 0 : i32
      %sign3A_245 = arith.cmpi slt, %jit3A_232, %sign3A_244 : i32
      %sign3A_246 = arith.extui %sign3A_245 : i1 to i32
      %sign3A_247 = arith.subi %sign3A_243, %sign3A_246 : i32
      %ne3A_248 = arith.cmpi ne, %sign3A_240, %sign3A_247 : i32
      %rem3A_249 = arith.remsi %add3A_150, %jit3A_232 : i32
      %ne3A_250 = arith.constant 0 : i32
      %ne3A_251 = arith.cmpi ne, %rem3A_249, %ne3A_250 : i32
      %and3A_252 = arith.andi %ne3A_248, %ne3A_251 : i1
      %sub3A_253 = arith.constant 1 : i32
      %sub3A_254 = arith.subi %div3A_233, %sub3A_253 : i32
      %select_n3A_255 = arith.select %and3A_252, %sub3A_254, %div3A_233 : i32
      %rem3A_256 = arith.constant 25 : i32
      %rem3A_257 = arith.remsi %add3A_150, %rem3A_256 : i32
      %eq3A = arith.constant 1 : i32
      %eq3A_258 = arith.cmpi eq, %rem3A_257, %eq3A : i32
      %ge3A_259 = arith.constant 1 : i32
      %ge3A_260 = arith.cmpi sge, %select_n3A_255, %ge3A_259 : i32
      %add3A_261 = arith.constant 1 : i32
      %add3A_262 = arith.addi %select_n3A_255, %add3A_261 : i32
      %lt3A_263 = arith.constant 5 : i32
      %lt3A_264 = arith.cmpi slt, %add3A_262, %lt3A_263 : i32
      %and3A_265 = arith.andi %ge3A_260, %lt3A_264 : i1
      %and3A_266 = arith.andi %eq3A_258, %and3A_265 : i1
      %convert_element_type3A_267 = arith.extui %and3A_266 : i1 to i32
      %cond3A_268 = arith.constant 0 : i32
      %cond3A_269 = arith.cmpi ne, %convert_element_type3A_267, %cond3A_268 : i32
      scf.if %cond3A_269 {
        %add3A_280 = arith.constant 1 : i32
        %add3A_281 = arith.addi %select_n3A_255, %add3A_280 : i32
        %rem3A_282 = arith.constant 2 : i32
        %rem3A_283 = arith.remsi %add3A_281, %rem3A_282 : i32
        %mul3A_284 = arith.constant 25 : i32
        %mul3A_285 = arith.muli %add3A_281, %mul3A_284 : i32
        %add3A_286 = arith.addi %mul3A_5, %mul3A_285 : i32
        %dma_start3A_287 = arith.constant 0 : i32
        %dma_start3A_288 = arith.constant 0 : i32
        %dma_start3A_289 = arith.constant 0 : i32
        %dma_start3A_290 = tpu.memref_slice %arg6[%rem3A_283, %dma_start3A_288, %dma_start3A_289] : memref<2x25x80xi32, #tpu.memory_space<vmem>> -> memref<1x25x80xi32, #tpu.memory_space<vmem>>
        %dma_start3A_291 = tpu.memref_squeeze %dma_start3A_290 : memref<1x25x80xi32, #tpu.memory_space<vmem>> -> memref<25x80xi32, #tpu.memory_space<vmem>>
        %dma_start3A_292 = arith.constant 0 : i32
        %dma_start3A_293 = tpu.memref_slice %arg3[%dma_start3A_287, %add3A_286, %dma_start3A_292] : memref<2x4000x80xi32, #tpu.memory_space<hbm>> -> memref<1x25x80xi32, #tpu.memory_space<hbm>>
        %dma_start3A_294 = tpu.memref_squeeze %dma_start3A_293 : memref<1x25x80xi32, #tpu.memory_space<hbm>> -> memref<25x80xi32, #tpu.memory_space<hbm>>
        %dma_start3A_295 = arith.constant 0 : i32
        %dma_start3A_296 = arith.constant 0 : i32
        %dma_start3A_297 = tpu.memref_slice %arg6[%rem3A_283, %dma_start3A_295, %dma_start3A_296] : memref<2x25x80xi32, #tpu.memory_space<vmem>> -> memref<1x25x80xi32, #tpu.memory_space<vmem>>
        %dma_start3A_298 = tpu.memref_squeeze %dma_start3A_297 : memref<1x25x80xi32, #tpu.memory_space<vmem>> -> memref<25x80xi32, #tpu.memory_space<vmem>>
        %dma_start3A_299 = arith.constant 0 : i32
        %dma_start3A_300 = tpu.memref_slice %arg3[%dma_start3A_287, %add3A_286, %dma_start3A_299] : memref<2x4000x80xi32, #tpu.memory_space<hbm>> -> memref<1x25x80xi32, #tpu.memory_space<hbm>>
        %dma_start3A_301 = tpu.memref_squeeze %dma_start3A_300 : memref<1x25x80xi32, #tpu.memory_space<hbm>> -> memref<25x80xi32, #tpu.memory_space<hbm>>
        tpu.enqueue_dma source(%dma_start3A_301 : memref<25x80xi32, #tpu.memory_space<hbm>>) target(%dma_start3A_298 : memref<25x80xi32, #tpu.memory_space<vmem>>) target_semaphore(%arg12 : memref<!tpu.dma_semaphore, #tpu.memory_space<semaphore_mem>>)
        %mul3A_302 = arith.constant 25 : i32
        %mul3A_303 = arith.muli %add3A_281, %mul3A_302 : i32
        %add3A_304 = arith.addi %mul3A_5, %mul3A_303 : i32
        %dma_start3A_305 = arith.constant 1 : i32
        %dma_start3A_306 = arith.constant 0 : i32
        %dma_start3A_307 = arith.constant 0 : i32
        %dma_start3A_308 = tpu.memref_slice %arg7[%rem3A_283, %dma_start3A_306, %dma_start3A_307] : memref<2x25x80xi32, #tpu.memory_space<vmem>> -> memref<1x25x80xi32, #tpu.memory_space<vmem>>
        %dma_start3A_309 = tpu.memref_squeeze %dma_start3A_308 : memref<1x25x80xi32, #tpu.memory_space<vmem>> -> memref<25x80xi32, #tpu.memory_space<vmem>>
        %dma_start3A_310 = arith.constant 0 : i32
        %dma_start3A_311 = tpu.memref_slice %arg3[%dma_start3A_305, %add3A_304, %dma_start3A_310] : memref<2x4000x80xi32, #tpu.memory_space<hbm>> -> memref<1x25x80xi32, #tpu.memory_space<hbm>>
        %dma_start3A_312 = tpu.memref_squeeze %dma_start3A_311 : memref<1x25x80xi32, #tpu.memory_space<hbm>> -> memref<25x80xi32, #tpu.memory_space<hbm>>
        %dma_start3A_313 = arith.constant 0 : i32
        %dma_start3A_314 = arith.constant 0 : i32
        %dma_start3A_315 = tpu.memref_slice %arg7[%rem3A_283, %dma_start3A_313, %dma_start3A_314] : memref<2x25x80xi32, #tpu.memory_space<vmem>> -> memref<1x25x80xi32, #tpu.memory_space<vmem>>
        %dma_start3A_316 = tpu.memref_squeeze %dma_start3A_315 : memref<1x25x80xi32, #tpu.memory_space<vmem>> -> memref<25x80xi32, #tpu.memory_space<vmem>>
        %dma_start3A_317 = arith.constant 0 : i32
        %dma_start3A_318 = tpu.memref_slice %arg3[%dma_start3A_305, %add3A_304, %dma_start3A_317] : memref<2x4000x80xi32, #tpu.memory_space<hbm>> -> memref<1x25x80xi32, #tpu.memory_space<hbm>>
        %dma_start3A_319 = tpu.memref_squeeze %dma_start3A_318 : memref<1x25x80xi32, #tpu.memory_space<hbm>> -> memref<25x80xi32, #tpu.memory_space<hbm>>
        tpu.enqueue_dma source(%dma_start3A_319 : memref<25x80xi32, #tpu.memory_space<hbm>>) target(%dma_start3A_316 : memref<25x80xi32, #tpu.memory_space<vmem>>) target_semaphore(%arg12 : memref<!tpu.dma_semaphore, #tpu.memory_space<semaphore_mem>>)
      } else {
      }
      %eq3A_270 = arith.constant 21 : i32
      %eq3A_271 = arith.cmpi eq, %rem3A_257, %eq3A_270 : i32
      %add3A_272 = arith.constant 1 : i32
      %add3A_273 = arith.addi %select_n3A_255, %add3A_272 : i32
      %lt3A_274 = arith.constant 5 : i32
      %lt3A_275 = arith.cmpi slt, %add3A_273, %lt3A_274 : i32
      %and3A_276 = arith.andi %eq3A_271, %lt3A_275 : i1
      %convert_element_type3A_277 = arith.extui %and3A_276 : i1 to i32
      %cond3A_278 = arith.constant 0 : i32
      %cond3A_279 = arith.cmpi ne, %convert_element_type3A_277, %cond3A_278 : i32
      scf.if %cond3A_279 {
        %add3A_280 = arith.constant 1 : i32
        %add3A_281 = arith.addi %select_n3A_255, %add3A_280 : i32
        %rem3A_282 = arith.constant 2 : i32
        %rem3A_283 = arith.remsi %add3A_281, %rem3A_282 : i32
        %mul3A_284 = arith.constant 25 : i32
        %mul3A_285 = arith.muli %add3A_281, %mul3A_284 : i32
        %add3A_286 = arith.addi %mul3A_5, %mul3A_285 : i32
        %dma_wait3A_287 = arith.constant 0 : i32
        %dma_wait3A_288 = arith.constant 0 : i32
        %dma_wait3A_289 = arith.constant 0 : i32
        %dma_wait3A_290 = tpu.memref_slice %arg6[%rem3A_283, %dma_wait3A_288, %dma_wait3A_289] : memref<2x25x80xi32, #tpu.memory_space<vmem>> -> memref<1x25x80xi32, #tpu.memory_space<vmem>>
        %dma_wait3A_291 = tpu.memref_squeeze %dma_wait3A_290 : memref<1x25x80xi32, #tpu.memory_space<vmem>> -> memref<25x80xi32, #tpu.memory_space<vmem>>
        %dma_wait3A_292 = arith.constant 0 : i32
        %dma_wait3A_293 = tpu.memref_slice %arg3[%dma_wait3A_287, %add3A_286, %dma_wait3A_292] : memref<2x4000x80xi32, #tpu.memory_space<hbm>> -> memref<1x25x80xi32, #tpu.memory_space<hbm>>
        %dma_wait3A_294 = tpu.memref_squeeze %dma_wait3A_293 : memref<1x25x80xi32, #tpu.memory_space<hbm>> -> memref<25x80xi32, #tpu.memory_space<hbm>>
        %dma_wait3A_295 = arith.constant 0 : i32
        %dma_wait3A_296 = arith.constant 0 : i32
        %dma_wait3A_297 = tpu.memref_slice %arg6[%rem3A_283, %dma_wait3A_295, %dma_wait3A_296] : memref<2x25x80xi32, #tpu.memory_space<vmem>> -> memref<1x25x80xi32, #tpu.memory_space<vmem>>
        %dma_wait3A_298 = tpu.memref_squeeze %dma_wait3A_297 : memref<1x25x80xi32, #tpu.memory_space<vmem>> -> memref<25x80xi32, #tpu.memory_space<vmem>>
        %dma_wait3A_299 = arith.constant 0 : i32
        %dma_wait3A_300 = tpu.memref_slice %arg3[%dma_wait3A_287, %add3A_286, %dma_wait3A_299] : memref<2x4000x80xi32, #tpu.memory_space<hbm>> -> memref<1x25x80xi32, #tpu.memory_space<hbm>>
        %dma_wait3A_301 = tpu.memref_squeeze %dma_wait3A_300 : memref<1x25x80xi32, #tpu.memory_space<hbm>> -> memref<25x80xi32, #tpu.memory_space<hbm>>
        tpu.wait_dma2 semaphore(%arg12 : memref<!tpu.dma_semaphore, #tpu.memory_space<semaphore_mem>>) src(%dma_wait3A_301 : memref<25x80xi32, #tpu.memory_space<hbm>>) dst(%dma_wait3A_298 : memref<25x80xi32, #tpu.memory_space<vmem>>)
        %mul3A_302 = arith.constant 25 : i32
        %mul3A_303 = arith.muli %add3A_281, %mul3A_302 : i32
        %add3A_304 = arith.addi %mul3A_5, %mul3A_303 : i32
        %dma_wait3A_305 = arith.constant 1 : i32
        %dma_wait3A_306 = arith.constant 0 : i32
        %dma_wait3A_307 = arith.constant 0 : i32
        %dma_wait3A_308 = tpu.memref_slice %arg7[%rem3A_283, %dma_wait3A_306, %dma_wait3A_307] : memref<2x25x80xi32, #tpu.memory_space<vmem>> -> memref<1x25x80xi32, #tpu.memory_space<vmem>>
        %dma_wait3A_309 = tpu.memref_squeeze %dma_wait3A_308 : memref<1x25x80xi32, #tpu.memory_space<vmem>> -> memref<25x80xi32, #tpu.memory_space<vmem>>
        %dma_wait3A_310 = arith.constant 0 : i32
        %dma_wait3A_311 = tpu.memref_slice %arg3[%dma_wait3A_305, %add3A_304, %dma_wait3A_310] : memref<2x4000x80xi32, #tpu.memory_space<hbm>> -> memref<1x25x80xi32, #tpu.memory_space<hbm>>
        %dma_wait3A_312 = tpu.memref_squeeze %dma_wait3A_311 : memref<1x25x80xi32, #tpu.memory_space<hbm>> -> memref<25x80xi32, #tpu.memory_space<hbm>>
        %dma_wait3A_313 = arith.constant 0 : i32
        %dma_wait3A_314 = arith.constant 0 : i32
        %dma_wait3A_315 = tpu.memref_slice %arg7[%rem3A_283, %dma_wait3A_313, %dma_wait3A_314] : memref<2x25x80xi32, #tpu.memory_space<vmem>> -> memref<1x25x80xi32, #tpu.memory_space<vmem>>
        %dma_wait3A_316 = tpu.memref_squeeze %dma_wait3A_315 : memref<1x25x80xi32, #tpu.memory_space<vmem>> -> memref<25x80xi32, #tpu.memory_space<vmem>>
        %dma_wait3A_317 = arith.constant 0 : i32
        %dma_wait3A_318 = tpu.memref_slice %arg3[%dma_wait3A_305, %add3A_304, %dma_wait3A_317] : memref<2x4000x80xi32, #tpu.memory_space<hbm>> -> memref<1x25x80xi32, #tpu.memory_space<hbm>>
        %dma_wait3A_319 = tpu.memref_squeeze %dma_wait3A_318 : memref<1x25x80xi32, #tpu.memory_space<hbm>> -> memref<25x80xi32, #tpu.memory_space<hbm>>
        tpu.wait_dma2 semaphore(%arg12 : memref<!tpu.dma_semaphore, #tpu.memory_space<semaphore_mem>>) src(%dma_wait3A_319 : memref<25x80xi32, #tpu.memory_space<hbm>>) dst(%dma_wait3A_316 : memref<25x80xi32, #tpu.memory_space<vmem>>)
      } else {
      }
    }
    %scan3A_125 = arith.constant 125 : i32
    %rem3A_126 = arith.constant 124 : i32
    %rem3A_127 = arith.constant 4 : i32
    %rem3A_128 = arith.remsi %rem3A_126, %rem3A_127 : i32
    %rem3A_129 = arith.constant 4 : i32
    %rem3A_130 = arith.constant 2 : i32
    %rem3A_131 = arith.remsi %rem3A_129, %rem3A_130 : i32
    %rem3A_132 = arith.constant 124 : i32
    %rem3A_133 = arith.constant 25 : i32
    %rem3A_134 = arith.remsi %rem3A_132, %rem3A_133 : i32
    %dma_wait3A_135 = arith.constant 0 : i32
    %dma_wait3A_136 = arith.constant 0 : i32
    %dma_wait3A_137 = tpu.memref_slice %arg8[%rem3A_128, %dma_wait3A_135, %dma_wait3A_136] : memref<4x80x128xf32, #tpu.memory_space<vmem>> -> memref<1x80x128xf32, #tpu.memory_space<vmem>>
    %dma_wait3A_138 = tpu.memref_squeeze %dma_wait3A_137 : memref<1x80x128xf32, #tpu.memory_space<vmem>> -> memref<80x128xf32, #tpu.memory_space<vmem>>
    %dma_wait3A_139 = arith.constant 0 : i32
    %dma_wait3A_140 = tpu.memref_slice %arg7[%rem3A_131, %rem3A_134, %dma_wait3A_139] : memref<2x25x80xi32, #tpu.memory_space<vmem>> -> memref<1x1x80xi32, #tpu.memory_space<vmem>>
    %dma_wait3A_141 = tpu.memref_squeeze %dma_wait3A_140 : memref<1x1x80xi32, #tpu.memory_space<vmem>> -> memref<80xi32, #tpu.memory_space<vmem>>
    %dma_wait3A_142 = arith.constant 0 : i32
    %dma_wait3A_143 = arith.constant 0 : i32
    %dma_wait3A_144 = tpu.memref_slice %arg9[%dma_wait3A_142, %dma_wait3A_143] : memref<10000x128xf32, #tpu.memory_space<vmem_shared>> -> memref<10000x128xf32, #tpu.memory_space<vmem_shared>>
    tpu.wait_indirect_dma semaphore(%arg11 : memref<!tpu.dma_semaphore, #tpu.memory_space<semaphore_mem>>) src(%dma_wait3A_138 : memref<80x128xf32, #tpu.memory_space<vmem>>) dst(%dma_wait3A_144 : memref<10000x128xf32, #tpu.memory_space<vmem_shared>>)
    %barrier3A_145 = arith.constant 0 : index
    tpu.barrier barrier_id(%barrier3A_145)
    "tpu.region"() ({
      %run_scoped3A = tpu.sem_alloc : memref<!tpu.dma_semaphore, #tpu.memory_space<semaphore_mem>>
      %dma_start3A_146 = arith.constant 0 : i32
      %dma_start3A_147 = tpu.memref_slice %arg5[%arg0, %mul3A_0, %dma_start3A_146] : memref<2x10000x128xf32, #tpu.memory_space<hbm>> -> memref<1x625x128xf32, #tpu.memory_space<hbm>>
      %dma_start3A_148 = tpu.memref_squeeze %dma_start3A_147 : memref<1x625x128xf32, #tpu.memory_space<hbm>> -> memref<625x128xf32, #tpu.memory_space<hbm>>
      %dma_start3A_149 = arith.constant 0 : i32
      %dma_start3A_150 = tpu.memref_slice %arg9[%mul3A_0, %dma_start3A_149] : memref<10000x128xf32, #tpu.memory_space<vmem_shared>> -> memref<625x128xf32, #tpu.memory_space<vmem_shared>>
      tpu.enqueue_dma source(%dma_start3A_150 : memref<625x128xf32, #tpu.memory_space<vmem_shared>>) target(%dma_start3A_148 : memref<625x128xf32, #tpu.memory_space<hbm>>) target_semaphore(%run_scoped3A : memref<!tpu.dma_semaphore, #tpu.memory_space<semaphore_mem>>)
      %dma_wait3A_151 = arith.constant 0 : i32
      %dma_wait3A_152 = tpu.memref_slice %arg5[%arg0, %mul3A_0, %dma_wait3A_151] : memref<2x10000x128xf32, #tpu.memory_space<hbm>> -> memref<1x625x128xf32, #tpu.memory_space<hbm>>
      %dma_wait3A_153 = tpu.memref_squeeze %dma_wait3A_152 : memref<1x625x128xf32, #tpu.memory_space<hbm>> -> memref<625x128xf32, #tpu.memory_space<hbm>>
      %dma_wait3A_154 = arith.constant 0 : i32
      %dma_wait3A_155 = tpu.memref_slice %arg9[%mul3A_0, %dma_wait3A_154] : memref<10000x128xf32, #tpu.memory_space<vmem_shared>> -> memref<625x128xf32, #tpu.memory_space<vmem_shared>>
      tpu.wait_dma2 semaphore(%run_scoped3A : memref<!tpu.dma_semaphore, #tpu.memory_space<semaphore_mem>>) src(%dma_wait3A_155 : memref<625x128xf32, #tpu.memory_space<vmem_shared>>) dst(%dma_wait3A_153 : memref<625x128xf32, #tpu.memory_space<hbm>>)
      tpu.yield
    }) : () -> ()
    return
  }
}

module attributes {stable_mosaic.version = 14 : i64} {
  func.func @_tc1_body(%arg0: memref<10000x128xf32, #tpu.memory_space<vmem>>, %arg1: memref<2x10240xf32, #tpu.memory_space<vmem>>, %arg2: memref<2x10240xf32, #tpu.memory_space<vmem>>, %arg3: memref<10000x128xf32, #tpu.memory_space<vmem>>, %arg4: memref<10000x128xf32, #tpu.memory_space<vmem>>, %arg5: memref<10000x128xf32, #tpu.memory_space<vmem>>) attributes {dimension_semantics = [], scalar_prefetch = 0 : i64, scratch_operands = 0 : i64, tpu.core_type = #tpu.core_type<tc>} {
    %get3A = arith.constant 0 : index
    %get3A_0 = arith.constant 0 : index
    %get3A_1 = vector.load %arg1[%get3A, %get3A_0] : memref<2x10240xf32, #tpu.memory_space<vmem>>, vector<1x10240xf32>
    %get3A_2 = vector.shape_cast %get3A_1 : vector<1x10240xf32> to vector<10240xf32>
    %get3A_3 = arith.constant 1 : index
    %get3A_4 = arith.constant 0 : index
    %get3A_5 = vector.load %arg1[%get3A_3, %get3A_4] : memref<2x10240xf32, #tpu.memory_space<vmem>>, vector<1x10240xf32>
    %get3A_6 = vector.shape_cast %get3A_5 : vector<1x10240xf32> to vector<10240xf32>
    %add3A = arith.addf %get3A_2, %get3A_6 : vector<10240xf32>
    %get3A_7 = arith.constant 0 : index
    %get3A_8 = arith.constant 0 : index
    %get3A_9 = vector.load %arg2[%get3A_7, %get3A_8] : memref<2x10240xf32, #tpu.memory_space<vmem>>, vector<1x10240xf32>
    %get3A_10 = vector.shape_cast %get3A_9 : vector<1x10240xf32> to vector<10240xf32>
    %get3A_11 = arith.constant 1 : index
    %get3A_12 = arith.constant 0 : index
    %get3A_13 = vector.load %arg2[%get3A_11, %get3A_12] : memref<2x10240xf32, #tpu.memory_space<vmem>>, vector<1x10240xf32>
    %get3A_14 = vector.shape_cast %get3A_13 : vector<1x10240xf32> to vector<10240xf32>
    %add3A_15 = arith.addf %get3A_10, %get3A_14 : vector<10240xf32>
    %gt3A = arith.constant 0.000000e+00 : f32
    %gt3A_16 = vector.broadcast %gt3A : f32 to vector<10240xf32>
    %gt3A_17 = arith.cmpf ogt, %add3A, %gt3A_16 : vector<10240xf32>
    %max3A = arith.constant 1.000000e+00 : f32
    %max3A_18 = vector.broadcast %max3A : f32 to vector<10240xf32>
    %max3A_19 = arith.maximumf %add3A, %max3A_18 : vector<10240xf32>
    %rsqrt3A = math.rsqrt %max3A_19 : vector<10240xf32>
    %jit3A = arith.constant 0.000000e+00 : f32
    %broadcast_in_dim3A = vector.broadcast %jit3A : f32 to vector<10240xf32>
    %select_n3A = arith.select %gt3A_17, %rsqrt3A, %broadcast_in_dim3A : vector<10240xi1>, vector<10240xf32>
    %gt3A_20 = arith.constant 0.000000e+00 : f32
    %gt3A_21 = vector.broadcast %gt3A_20 : f32 to vector<10240xf32>
    %gt3A_22 = arith.cmpf ogt, %add3A_15, %gt3A_21 : vector<10240xf32>
    %max3A_23 = arith.constant 1.000000e+00 : f32
    %max3A_24 = vector.broadcast %max3A_23 : f32 to vector<10240xf32>
    %max3A_25 = arith.maximumf %add3A_15, %max3A_24 : vector<10240xf32>
    %rsqrt3A_26 = math.rsqrt %max3A_25 : vector<10240xf32>
    %jit3A_27 = arith.constant 0.000000e+00 : f32
    %broadcast_in_dim3A_28 = vector.broadcast %jit3A_27 : f32 to vector<10240xf32>
    %select_n3A_29 = arith.select %gt3A_22, %rsqrt3A_26, %broadcast_in_dim3A_28 : vector<10240xi1>, vector<10240xf32>
    %reshape3A = vector.shape_cast %select_n3A : vector<10240xf32> to vector<10240x1xf32>
    %slice3A = vector.extract_strided_slice %reshape3A {offsets = [0, 0], sizes = [10000, 1], strides = [1, 1]} : vector<10240x1xf32> to vector<10000x1xf32>
    %broadcast_in_dim3A_30 = vector.shape_cast %slice3A : vector<10000x1xf32> to vector<10000x1xf32>
    %broadcast_in_dim3A_31 = vector.broadcast %broadcast_in_dim3A_30 : vector<10000x1xf32> to vector<10000x128xf32>
    %reshape3A_32 = vector.shape_cast %select_n3A_29 : vector<10240xf32> to vector<10240x1xf32>
    %slice3A_33 = vector.extract_strided_slice %reshape3A_32 {offsets = [0, 0], sizes = [10000, 1], strides = [1, 1]} : vector<10240x1xf32> to vector<10000x1xf32>
    %broadcast_in_dim3A_34 = vector.shape_cast %slice3A_33 : vector<10000x1xf32> to vector<10000x1xf32>
    %broadcast_in_dim3A_35 = vector.broadcast %broadcast_in_dim3A_34 : vector<10000x1xf32> to vector<10000x128xf32>
    %swap3A = arith.constant 0 : index
    %swap3A_36 = arith.constant 0 : index
    %swap3A_37 = vector.load %arg4[%swap3A, %swap3A_36] : memref<10000x128xf32, #tpu.memory_space<vmem>>, vector<10000x128xf32>
    tpu.vector_store %arg4[%swap3A, %swap3A_36], %broadcast_in_dim3A_31 {strides = array<i32>} : memref<10000x128xf32, #tpu.memory_space<vmem>>, vector<10000x128xf32>,
    %swap3A_38 = arith.constant 0 : index
    %swap3A_39 = arith.constant 0 : index
    %swap3A_40 = vector.load %arg5[%swap3A_38, %swap3A_39] : memref<10000x128xf32, #tpu.memory_space<vmem>>, vector<10000x128xf32>
    tpu.vector_store %arg5[%swap3A_38, %swap3A_39], %broadcast_in_dim3A_35 {strides = array<i32>} : memref<10000x128xf32, #tpu.memory_space<vmem>>, vector<10000x128xf32>,
    %get3A_41 = arith.constant 0 : index
    %get3A_42 = arith.constant 0 : index
    %get3A_43 = vector.load %arg0[%get3A_41, %get3A_42] : memref<10000x128xf32, #tpu.memory_space<vmem>>, vector<10000x128xf32>
    %mul3A = arith.mulf %get3A_43, %broadcast_in_dim3A_31 : vector<10000x128xf32>
    %swap3A_44 = arith.constant 0 : index
    %swap3A_45 = arith.constant 0 : index
    %swap3A_46 = vector.load %arg3[%swap3A_44, %swap3A_45] : memref<10000x128xf32, #tpu.memory_space<vmem>>, vector<10000x128xf32>
    tpu.vector_store %arg3[%swap3A_44, %swap3A_45], %mul3A {strides = array<i32>} : memref<10000x128xf32, #tpu.memory_space<vmem>>, vector<10000x128xf32>,
    return
  }
}

module attributes {stable_mosaic.version = 14 : i64} {
  func.func @_tc2_body(%arg0: memref<2x10000x128xf32, #tpu.memory_space<vmem>>, %arg1: memref<10000x128xf32, #tpu.memory_space<vmem>>, %arg2: memref<10000x128xf32, #tpu.memory_space<vmem>>, %arg3: memref<128x256xf32, #tpu.memory_space<vmem>>, %arg4: memref<1x256xf32, #tpu.memory_space<vmem>>, %arg5: memref<256x64xf32, #tpu.memory_space<vmem>>, %arg6: memref<10000x64xf32, #tpu.memory_space<vmem>>) attributes {dimension_semantics = [], scalar_prefetch = 0 : i64, scratch_operands = 0 : i64, tpu.core_type = #tpu.core_type<tc>} {
    %get3A = arith.constant 0 : index
    %get3A_0 = arith.constant 0 : index
    %get3A_1 = arith.constant 0 : index
    %get3A_2 = vector.load %arg0[%get3A, %get3A_0, %get3A_1] : memref<2x10000x128xf32, #tpu.memory_space<vmem>>, vector<1x10000x128xf32>
    %get3A_3 = vector.shape_cast %get3A_2 : vector<1x10000x128xf32> to vector<10000x128xf32>
    %get3A_4 = arith.constant 1 : index
    %get3A_5 = arith.constant 0 : index
    %get3A_6 = arith.constant 0 : index
    %get3A_7 = vector.load %arg0[%get3A_4, %get3A_5, %get3A_6] : memref<2x10000x128xf32, #tpu.memory_space<vmem>>, vector<1x10000x128xf32>
    %get3A_8 = vector.shape_cast %get3A_7 : vector<1x10000x128xf32> to vector<10000x128xf32>
    %add3A = arith.addf %get3A_3, %get3A_8 : vector<10000x128xf32>
    %get3A_9 = arith.constant 0 : index
    %get3A_10 = arith.constant 0 : index
    %get3A_11 = vector.load %arg1[%get3A_9, %get3A_10] : memref<10000x128xf32, #tpu.memory_space<vmem>>, vector<10000x128xf32>
    %mul3A = arith.mulf %add3A, %get3A_11 : vector<10000x128xf32>
    %get3A_12 = arith.constant 0 : index
    %get3A_13 = arith.constant 0 : index
    %get3A_14 = vector.load %arg3[%get3A_12, %get3A_13] : memref<128x256xf32, #tpu.memory_space<vmem>>, vector<128x256xf32>
    %dot_general3A = arith.constant dense<0.000000e+00> : vector<10000x256xf32>
    %dot_general3A_15 = tpu.matmul %mul3A, %get3A_14, %dot_general3A {dimension_numbers = #tpu.dot_dimension_numbers<[1], [0], [0], [1], [0, 0, 1, 1], [], []>, transpose_lhs_hint = false} : vector<10000x128xf32>, vector<128x256xf32>, vector<10000x256xf32> -> vector<10000x256xf32>
    %get3A_16 = arith.constant 0 : index
    %get3A_17 = arith.constant 0 : index
    %get3A_18 = vector.load %arg4[%get3A_16, %get3A_17] : memref<1x256xf32, #tpu.memory_space<vmem>>, vector<1x256xf32>
    %add3A_19 = vector.broadcast %get3A_18 : vector<1x256xf32> to vector<10000x256xf32>
    %add3A_20 = arith.addf %dot_general3A_15, %add3A_19 : vector<10000x256xf32>
    %get3A_21 = arith.constant 0 : index
    %get3A_22 = arith.constant 0 : index
    %get3A_23 = vector.load %arg5[%get3A_21, %get3A_22] : memref<256x64xf32, #tpu.memory_space<vmem>>, vector<256x64xf32>
    %dot_general3A_24 = arith.constant dense<0.000000e+00> : vector<10000x64xf32>
    %dot_general3A_25 = tpu.matmul %add3A_20, %get3A_23, %dot_general3A_24 {dimension_numbers = #tpu.dot_dimension_numbers<[1], [0], [0], [1], [0, 0, 1, 1], [], []>, transpose_lhs_hint = false} : vector<10000x256xf32>, vector<256x64xf32>, vector<10000x64xf32> -> vector<10000x64xf32>
    %get3A_26 = arith.constant 0 : index
    %get3A_27 = arith.constant 0 : index
    %get3A_28 = vector.load %arg2[%get3A_26, %get3A_27] : memref<10000x128xf32, #tpu.memory_space<vmem>>, vector<10000x64xf32>
    %mul3A_29 = arith.mulf %dot_general3A_25, %get3A_28 : vector<10000x64xf32>
    %swap3A = arith.constant 0 : index
    %swap3A_30 = arith.constant 0 : index
    %swap3A_31 = vector.load %arg6[%swap3A, %swap3A_30] : memref<10000x64xf32, #tpu.memory_space<vmem>>, vector<10000x64xf32>
    tpu.vector_store %arg6[%swap3A, %swap3A_30], %mul3A_29 {strides = array<i32>} : memref<10000x64xf32, #tpu.memory_space<vmem>>, vector<10000x64xf32>,
    return
  }
}

module attributes {stable_mosaic.version = 14 : i64} {
  func.func @_tc3_body(%arg0: memref<2x10000x128xf32, #tpu.memory_space<vmem>>, %arg1: memref<10000x128xf32, #tpu.memory_space<vmem>>, %arg2: memref<1x64xf32, #tpu.memory_space<vmem>>, %arg3: memref<10000x64xf32, #tpu.memory_space<vmem>>) attributes {dimension_semantics = [], scalar_prefetch = 0 : i64, scratch_operands = 0 : i64, tpu.core_type = #tpu.core_type<tc>} {
    %get3A = arith.constant 0 : index
    %get3A_0 = arith.constant 0 : index
    %get3A_1 = arith.constant 0 : index
    %get3A_2 = vector.load %arg0[%get3A, %get3A_0, %get3A_1] : memref<2x10000x128xf32, #tpu.memory_space<vmem>>, vector<1x10000x64xf32>
    %get3A_3 = vector.shape_cast %get3A_2 : vector<1x10000x64xf32> to vector<10000x64xf32>
    %get3A_4 = arith.constant 1 : index
    %get3A_5 = arith.constant 0 : index
    %get3A_6 = arith.constant 0 : index
    %get3A_7 = vector.load %arg0[%get3A_4, %get3A_5, %get3A_6] : memref<2x10000x128xf32, #tpu.memory_space<vmem>>, vector<1x10000x64xf32>
    %get3A_8 = vector.shape_cast %get3A_7 : vector<1x10000x64xf32> to vector<10000x64xf32>
    %add3A = arith.addf %get3A_3, %get3A_8 : vector<10000x64xf32>
    %get3A_9 = arith.constant 0 : index
    %get3A_10 = arith.constant 0 : index
    %get3A_11 = vector.load %arg1[%get3A_9, %get3A_10] : memref<10000x128xf32, #tpu.memory_space<vmem>>, vector<10000x64xf32>
    %mul3A = arith.mulf %add3A, %get3A_11 : vector<10000x64xf32>
    %get3A_12 = arith.constant 0 : index
    %get3A_13 = arith.constant 0 : index
    %get3A_14 = vector.load %arg2[%get3A_12, %get3A_13] : memref<1x64xf32, #tpu.memory_space<vmem>>, vector<1x64xf32>
    %add3A_15 = vector.broadcast %get3A_14 : vector<1x64xf32> to vector<10000x64xf32>
    %add3A_16 = arith.addf %mul3A, %add3A_15 : vector<10000x64xf32>
    %swap3A = arith.constant 0 : index
    %swap3A_17 = arith.constant 0 : index
    %swap3A_18 = vector.load %arg3[%swap3A, %swap3A_17] : memref<10000x64xf32, #tpu.memory_space<vmem>>, vector<10000x64xf32>
    tpu.vector_store %arg3[%swap3A, %swap3A_17], %add3A_16 {strides = array<i32>} : memref<10000x64xf32, #tpu.memory_space<vmem>>, vector<10000x64xf32>,
    return
  }
}

</mosaic_0001>

<sc_bundles>
// kernel: kernel.11.cloned.1.call-start
scs
__scs_entry_jumppad:
0x0: {  	(pc) =	sbr.rel $0x88, $3  }
0x1: {  	(tag) =	ssettag $0x0;
	lr =	simm.s32 $0x1  }
0x2: {  	[smem:$0x3F9B] =	sst lr;
	_ =	strace $0xD0000000  }
0x3: {  	_ = 	snop  }
0x4: {  	_ = 	snop  }
0x5: {  	_ = 	snop  }
0x6: {  	_ = 	snop  }
0x7: {  	_ = 	snop  }
__scs_overlays_trampoline_lowered:
0x8: {  	[smem:$0x3FAA] =	sst s0  }
0x9: {  	[smem:$0x3FAB] =	sst s1  }
0xa: {  	[smem:$0x3FAC] =	sst s2  }
0xb: {  	[smem:$0x3FAD] =	sst s3  }
0xc: {  	[smem:$0x3FAE] =	sst s4  }
0xd: {  	[smem:$0x3FAF] =	sst s5  }
0xe: {  	[smem:$0x3FB0] =	sst s6  }
0xf: {  	[smem:$0x3FB1] =	sst s7  }
0x10: {  	[smem:$0x3FB2] =	sst s8  }
0x11: {  	[smem:$0x3FB3] =	sst s9;
	s0 =	simm.s32 @!p0 $0x0  }
0x12: {  	s1 =	sld [smem:$0x3F99];
	s0 =	simm.s32 @p0 $0x1  }
0x13: {  	[smem:$0x3FB4] =	sst s0;
	s0 =	simm.s32 @!p1 $0x0  }
0x14: {  	s2 =	sld [smem:$0x3F98];
	s0 =	simm.s32 @p1 $0x1  }
0x15: {  	[smem:$0x3FB5] =	sst s0;
	s0 =	simm.s32 @!p2 $0x0  }
0x16: {  	s3 =	sld [smem:$0x3FDB];
	s0 =	simm.s32 @p2 $0x1  }
0x17: {  	s4 =	simm.s32 $0x1BF5;
	[smem:$0x3FB7] =	sst s0  }
0x18: {  	s0 =	sld [smem:$0x3F9A];
	_ =	swait.ge [sflag:s4], $0x0  }
0x19: {  	s7 =	sld [smem:$0x3F9B]  }
0x1a: {  	s8 =	sadd.s32 $0xFFFFE003, lr  }
0x1b: {  	s9 =	sadd.s32 $0xFFFFFEF7, lr;
	s5 =	simm.s32 $0xFFFFFFFF;
	p2 =	slt.u32 s8, $0xFFFFF086  }
0x1c: {  	p1 =	slt.u32 s9, $0xF7A;
	s5 =	simm.s32 @!p2 $0x0  }
0x1d: {  	s5 =	simm.s32 @p1 $0x1;
	p0 =	seq.s32 s7, s2  }
0x1e: {  	s7 =	smul.u32 @!p0 $0xF7A, s2;
	p2 =	seq.s32 @!p0 s5, $0x0  }
0x1f: {  	s9 =	smul.u32 $0xF7A, s1;
	s8 =	simm.s32 @!p0 $0x1BF5;
	p2 =	por !p2, p0  }
0x20: {  	[sflag:s8] =	ssyncset.s32 @!p0 $0xFFFFF086;
	s6 =	sadd.s32 @!p0 s3, s7;
	s7 =	simm.s32 @!p0 $0x108  }
0x21: {  	s3 =	sadd.s32 s3, s9;
	s6 =	sadd.s32 @!p0 $0x88, s6;
	s7 =	simm.s32 @p2 $0x1082  }
0x22: {  	[simem:s7], [sflag:s8] =	dma.local @!p0 [hbm:s6], $0xF7A  }
0x23: {  	s9 =	sor.u32 $0xD0000000, s2;
	s6 =	simm.s32 $0x108;
	_ =	swait.ge @!p0 [sflag:s8], $0x0  }
0x24: {  	s3 =	sadd.s32 $0x88, s3;
	s6 =	simm.s32 @!p1 $0x1082;
	[sflag:s4] =	ssyncset.s32 $0xFFFFF086  }
0x25: {  	[simem:s6], [sflag:s4] =	dma.local [hbm:s3], $0xF7A  }
0x26: {  	[smem:$0x3F9B] =	sst s1;
	(tag) =	ssettag s2;
	_ =	strace s9  }
0x27: {  	s1 =	sld [smem:$0x3FAB]  }
0x28: {  	s2 =	sld [smem:$0x3FAC]  }
0x29: {  	s4 =	sld [smem:$0x3FAE]  }
0x2a: {  	p0 =	seq.s32 s5, $0x0;
	s5 =	sld [smem:$0x3FAF]  }
0x2b: {  	s6 =	sld [smem:$0x3FB0]  }
0x2c: {  	s7 =	sld [smem:$0x3FB1]  }
0x2d: {  	s3 =	simm.s32 $0x108;
	s8 =	sld [smem:$0x3FB2]  }
0x2e: {  	s3 =	simm.s32 @!p0 $0x1082;
	s9 =	sld [smem:$0x3FB3]  }
0x2f: {  	lr =	sadd.s32 s0, s3;
	s0 =	sld [smem:$0x3FAA]  }
0x30: {  	s3 =	sld [smem:$0x3FAD]  }
0x31: {  	[smem:$0x3FB6] =	sst s10  }
0x32: {  	s10 =	sld [smem:$0x3FB4];
	_ =	sdelay $0x3  }
0x33: {  	p0 =	seq.s32 s10, $0x1;
	s10 =	sld [smem:$0x3FB6];
	_ =	sdelay $0x3  }
0x34: {  	[smem:$0x3FB6] =	sst s10  }
0x35: {  	s10 =	sld [smem:$0x3FB5];
	_ =	sdelay $0x3  }
0x36: {  	p1 =	seq.s32 s10, $0x1;
	s10 =	sld [smem:$0x3FB6];
	_ =	sdelay $0x3  }
0x37: {  	[smem:$0x3FB6] =	sst s10  }
0x38: {  	s10 =	sld [smem:$0x3FB7]  }
0x39: {  	_ = 	snop;
	(pc) =	sbr.ind lr, $3  }
0x3a: {  	_ = 	snop  }
0x3b: {  	_ = 	snop  }
0x3c: {  	p2 =	seq.s32 s10, $0x1;
	s10 =	sld [smem:$0x3FB6]  }
0x3d: {  	_ =	shalt  }
0x3e: {  	_ =	shalt  }
0x3f: {  	_ =	shalt  }
0x40: {  	_ =	shalt  }
0x41: {  	_ =	shalt  }
0x42: {  	_ =	shalt  }
0x43: {  	_ =	shalt  }
0x44: {  	_ =	shalt  }
0x45: {  	_ =	shalt  }
0x46: {  	_ =	shalt  }
0x47: {  	_ =	shalt  }
0x48: {  	_ =	shalt  }
0x49: {  	_ =	shalt  }
0x4a: {  	_ =	shalt  }
0x4b: {  	_ =	shalt  }
0x4c: {  	_ =	shalt  }
0x4d: {  	_ =	shalt  }
0x4e: {  	_ =	shalt  }
0x4f: {  	_ =	shalt  }
0x50: {  	_ =	shalt  }
0x51: {  	_ =	shalt  }
0x52: {  	_ =	shalt  }
0x53: {  	_ =	shalt  }
0x54: {  	_ =	shalt  }
0x55: {  	_ =	shalt  }
0x56: {  	_ =	shalt  }
0x57: {  	_ =	shalt  }
0x58: {  	_ =	shalt  }
0x59: {  	_ =	shalt  }
0x5a: {  	_ =	shalt  }
0x5b: {  	_ =	shalt  }
0x5c: {  	_ =	shalt  }
0x5d: {  	_ =	shalt  }
0x5e: {  	_ =	shalt  }
0x5f: {  	_ =	shalt  }
0x60: {  	_ =	shalt  }
0x61: {  	_ =	shalt  }
0x62: {  	_ =	shalt  }
0x63: {  	_ =	shalt  }
0x64: {  	_ =	shalt  }
0x65: {  	_ =	shalt  }
0x66: {  	_ =	shalt  }
0x67: {  	_ =	shalt  }
0x68: {  	_ =	shalt  }
0x69: {  	_ =	shalt  }
0x6a: {  	_ =	shalt  }
0x6b: {  	_ =	shalt  }
0x6c: {  	_ =	shalt  }
0x6d: {  	_ =	shalt  }
0x6e: {  	_ =	shalt  }
0x6f: {  	_ =	shalt  }
0x70: {  	_ =	shalt  }
0x71: {  	_ =	shalt  }
0x72: {  	_ =	shalt  }
0x73: {  	_ =	shalt  }
0x74: {  	_ =	shalt  }
0x75: {  	_ =	shalt  }
0x76: {  	_ =	shalt  }
0x77: {  	_ =	shalt  }
0x78: {  	_ =	shalt  }
0x79: {  	_ =	shalt  }
0x7a: {  	_ =	shalt  }
0x7b: {  	_ =	shalt  }
0x7c: {  	_ =	shalt  }
0x7d: {  	_ =	shalt  }
0x7e: {  	_ =	shalt  }
0x7f: {  	_ =	shalt  }
0x80: {  	_ =	shalt  }
0x81: {  	_ =	shalt  }
0x82: {  	_ =	shalt  }
0x83: {  	_ =	shalt  }
0x84: {  	_ =	shalt  }
0x85: {  	_ =	shalt  }
0x86: {  	_ =	shalt  }
0x87: {  	_ =	shalt  }
.Lfunc_end0:
.L_simem_size_0:
called_computation.1_lowered:
.L_overlay_start_0:
0x88: {  	s2 =	sld [smem:$0x3FD9]  }
0x89: {  	s3 =	sld [smem:$0x3FFE];
	_ =	sdelay $0x1  }
0x8a: {  	s1 =	srdreg.scid  }
0x8b: {  	s0 =	sand.u32 $0x1, s1  }
0x8c: {  	s17 =	sshll.u32 s0, $0xA;
	s2 =	sadd.s32 s3, s2  }
0x8d: {  	s2 =	sadd.s32 s2, s17  }
0x8e: {  	[smem:$0x3FC2] =	sst s2  }
0x8f: {  	_ = 	snop  }
0x90: {  	s2 =	sld [smem:$0x3FD0];
	(tm) =	ssettm $0x1  }
0x91: {  	s18 =	sld [smem:$0x3FFB];
	_ =	sdelay $0x3  }
0x92: {  	_ =	strace s18  }
0x93: {  	s3 =	sld [smem:$0x3FFC];
	_ =	sdelay $0x3  }
0x94: {  	_ =	strace s3  }
0x95: {  	s3 =	sld [smem:$0x3FFD];
	_ =	sdelay $0x3  }
0x96: {  	_ =	strace s3  }
0x97: {  	_ =	strace $0x8FFFFFFF  }
0x98: {  	s19 =	sld [smem:$0x3FDB];
	_ =	sdelay $0x1  }
0x99: {  	s4 =	simm.s32 $_scs_section_size  }
0x9a: {  	s5 =	simm.s32 $_size__tile_overlayer_lowered;
	s6 =	simm.s32 $_tile_overlayer_lowered  }
0x9b: {  	s22 =	simm.s32 $0x1BFF;
	s21 =	sshll.u32 s6, $0x1;
	s3 =	sadd.s32 s4, s19  }
0x9c: {  	s7 =	simm.s32 $0x0;
	s20 =	sshll.u32 s5, $0x1;
	s5 =	sadd.s32 s21, s3  }
0x9d: {  	[timem:s7], [sflag:s22] =	dma.local [hbm:s5], s20  }
0x9e: {  	_ =	swait.ge [sflag:s22], s20  }
0x9f: {  	s4 =	ssub.s32 $0x0, s20;
	[sflag:s22] =	ssyncset.done $0x0  }
0xa0: {  	[sflag:s22] =	ssyncadd.s32 s4;
	_ =	sdelay $0x1  }
0xa1: {  	s23 =	simm.s32 $0x1B8B  }
0xa2: {  	_ =	swait.ge [sflag:s23], $0x1  }
0xa3: {  	[sflag:s23] =	ssyncset.done $0x0  }
0xa4: {  	s25 =	simm.s32 $0x1B8E;
	s24 =	sld [smem:$0x3FFE];
	[sflag:s23] =	ssyncadd.s32 $0xFFFFFFFF  }
0xa5: {  	s26 =	simm.s32 $execute0_lowered;
	[smem:$0x3FD2] =	sst s25  }
0xa6: {  	s5 =	sshll.u32 s26, $0x1;
	_ =	strace $0x80000049;
	[dreg:$0x1] =	wrdreg $0xFFFFFFFF  }
0xa7: {  	s28 =	simm.s32 $_size_execute0_lowered;
	s3 =	sadd.s32 s3, s5;
	[dreg:$0x0] =	wrdreg $0x0  }
0xa8: {  	s5 =	sshll.u32 s28, $0x1;
	[dreg:$0x2] =	wrdreg s3  }
0xa9: {  	[dreg:$0x3] =	wrdreg s5  }
0xaa: {  	[dreg:$0x4] =	wrdreg $0xC0  }
0xab: {  	_ =	task [dreg:s7], $0x5FFFF  }
0xac: {  	[dreg:$0x1] =	wrdreg $0xFFFFFFFF  }
0xad: {  	[dreg:$0x0] =	wrdreg $0x60  }
0xae: {  	[dreg:$0x2] =	wrdreg s24  }
0xaf: {  	[dreg:$0x3] =	wrdreg s2  }
0xb0: {  	[dreg:$0x4] =	wrdreg $0xBF400  }
0xb1: {  	[dreg:$0x5] =	wrdreg $0x9  }
0xb2: {  	_ =	task.clear_ibuf [dreg:s7], $0x6FFFF;
	_ =	strace $0x90000049  }
0xb3: {  	s29 =	simm.s32 $0x9;
	_ =	strace $0x8000004B  }
0xb4: {  	_ =	swait.ge [sflag:s29], $0x1  }
0xb5: {  	[sflag:s29] =	ssyncadd.s32 $0xFFFFFFFF  }
0xb6: {  	_ =	strace $0x9000004B  }
0xb7: {  	_ =	sfence  }
0xb8: {  	s30 =	sld [smem:$0x0];
	_ =	sdelay $0x2  }
0xb9: {  	s31 =	sshll.u32 s1, $0xD;
	s1 =	sshrl.u32 s1, $0x2  }
0xba: {  	s3 =	sand.u32 $0x4000, s31;
	s1 =	sadd.s32 s1, s30  }
0xbb: {  	s0 =	sor.u32 s3, s0;
	s1 =	sshll.u32 s1, $0x11  }
0xbc: {  	s0 =	sor.u32 s1, s0  }
0xbd: {  	s0 =	sadd.s32 $0x8F2B, s0  }
0xbe: {  	[sflag:s0] =	ssyncadd.remote.s32 $0x1  }
0xbf: {  	_ =	sfence.sel $0xFFFF  }
0xc0: {  	[dreg:$0x0] =	wrdreg $0xFFFFFFFF;
	(pc) =	sbr.abs _section_cstart, $3  }
0xc1: {  	[dreg:$0x1] =	wrdreg $0xFFFFFFFF  }
0xc2: {  	_ =	task.clear_ibuf [dreg:s7], $0x2FFFF;
	_ =	strace $0x9FFFFFFF  }
0xc3: {  	(tm) =	ssettm $0x7FFFFFFF  }
tec
execute0_lowered:
.L_overlay_start_1:
0x0: {  	(tag) =	ssettag $0x1  }
0x1: {  	s0 =	rddreg [dreg:$0x0]  }
0x2: {  	s2 =	rddreg [dreg:$0x1]  }
0x3: {  	s3 =	rddreg [dreg:$0x2]  }
0x4: {  	s1 =	srdreg.scid;
	s12 =	stileid.u32;
	s4 =	simm.s32 $0x0  }
0x5: {  	s18 =	simm.s32 $0x3;
	s21 =	simm.s32 $0x2;
	s22 =	simm.s32 $0x50  }
0x6: {  	s28 =	simm.s32 $0x1;
	s29 =	simm.s32 $0x4;
	s30 =	simm.s32 $0x0  }
0x7: {  	s1 =	sand.u32 $0x1, s1;
	s7 =	smul.u32 $0x13880, s12;
	[smem:$0x7FF] =	sst s4  }
0x8: {  	s5 =	sadd.s32 $0x2600, s0;
	s6 =	smul.u32 $0x138800, s1;
	s8 =	sshll.u32 s1, $0x4  }
0x9: {  	_ =	strace $0x8000004A;
	s1 =	ssub.s32 $0x2, s1;
	s10 =	sor.u32 s12, s8  }
0xa: {  	s11 =	sshrl.u32 s1, $0x1;
	s16 =	sadd.s32 s7, s3;
	s9 =	smul.u32 $0x2710, s10  }
0xb: {  	s26 =	sadd.s32 s7, s6;
	s6 =	sadd.s32 $0x29800, s0;
	s10 =	smul.u32 $0x7D, s10  }
.Ltmp0:
0xc: {  	s1 =	ssub.s32 s1, s11;
	s7 =	sshll.u32 s12, $0x6;
	(pc) =	sbr.rel .LBB2_1-.Ltmp0, $4  }
0xd: {  	s16 =	sshrl.u32 s16, $0x3;
	s8 =	sshrl.u32 s26, $0x3;
	s15 =	smax.u32 s1, $0x1  }
0xe: {  	s26 =	simm.s32 $0x6F40;
	s0 =	sadd.s32 s8, s0;
	s31 =	sshrl.u32 s9, $0x3  }
0xf: {  	s9 =	sor.u32 $0x1C02, s7;
	s8 =	sadd.s32 s2, s31;
	s14 =	sadd.s32 $0x2C000, s0  }
0x10: {  	s11 =	sadd.s32 $0x9C40, s8;
	s12 =	sadd.s32 $0xFA, s8;
	s13 =	sadd.s32 $0x9D3A, s8  }
.LBB2_6:
0x11: {  	_ =	swait.ge [sflag:s21], $0x2800  }
0x12: {  	s30 =	sadd.s32 $0x1, s30;
	[sflag:s21] =	ssyncset.done $0x0  }
0x13: {  	p0 =	sne.s32 s30, s15;
	[sflag:s21] =	ssyncadd.s32 $0xFFFFD800  }
.Ltmp1:
0x14: {  	s0 =	sor.u32 $0x1C04, s7;
	[bflag:$0x0] =	sbarrier.arrive $0xFFFF;
	(pc) =	sbr.rel @!p0 .LBB2_7-.Ltmp1, $4  }
0x15: {  	[hbm:s14], [sflag:s0] =	dma.local [spmem:s16], $0x2710  }
0x16: {  	_ =	swait.ge [sflag:s29], $0x2710  }
0x17: {  	[sflag:s29] =	ssyncset.done $0x0  }
0x18: {  	[sflag:s29] =	ssyncadd.s32 $0xFFFFD8F0  }
.LBB2_1:
0x19: {  	[spmem:s16], [sflag:s9] =	dma.local [hbm:s6], $0x2710  }
0x1a: {  	[tilespmem:s4], [sflag:$0x3] =	stream.linear.gather [hbm4b:s8+s4], $0x7D0, $0x38;
	[tilespmem:$0x1F7C0] =	vst v63  }
0x1b: {  	s0 =	simm.s32 $0xFA0  }
0x1c: {  	[tilespmem:s0], [sflag:$0x3] =	stream.linear.gather [hbm4b:s11+s4], $0x7D0, $0x38;
	[tilespmem:$0x1F7C0] =	vst v63  }
0x1d: {  	_ =	swait.ge [sflag:s18], $0x7D0  }
0x1e: {  	[sflag:s18] =	ssyncset.done $0x0  }
0x1f: {  	[sflag:s18] =	ssyncadd.s32 $0xFFFFF830  }
0x20: {  	_ =	swait.ge [sflag:s18], $0x7D0  }
0x21: {  	[sflag:s18] =	ssyncset.done $0x0  }
0x22: {  	s19 =	simm.s32 $0x7D0;
	[sflag:s18] =	ssyncadd.s32 $0xFFFFF830  }
0x23: {  	[tilespmem:s19], [sflag:$0x3] =	stream.linear.gather [hbm4b:s12+s4], $0x7D0, $0x38;
	[tilespmem:$0x1F7C0] =	vst v63  }
0x24: {  	s20 =	simm.s32 $0x1770  }
0x25: {  	[tilespmem:s20], [sflag:$0x3] =	stream.linear.gather [hbm4b:s13+s4], $0x7D0, $0x38;
	[tilespmem:$0x1F7C0] =	vst v63  }
0x26: {  	_ =	swait.ge [sflag:s21], $0x2710  }
0x27: {  	[sflag:s21] =	ssyncset.done $0x0  }
0x28: {  	[sflag:s21] =	ssyncadd.s32 $0xFFFFD8F0  }
0x29: {  	s23 =	simm.s32 $0x1F40;
	[bflag:$0x0] =	sbarrier.arrive $0xFFFF  }
0x2a: {  	[tilespmem:s23], [sflag:$0x1] =	stream.indirect.gather [hbm4b:s5+s22], $0x80, s4, s22, $0xb8;
	[tilespmem:$0x1F7C0] =	vst v63  }
.Ltmp2:
0x2b: {  	_ = 	snop;
	(pc) =	sbr.rel .LBB2_2-.Ltmp2, $4  }
0x2c: {  	s24 =	simm.s32 $0x4740  }
0x2d: {  	[tilespmem:s24], [sflag:$0x1] =	stream.indirect.gather [hbm4b:s5+s22], $0x80, s22, s22, $0xb8;
	[tilespmem:$0x1F7C0] =	vst v63  }
0x2e: {  	s25 =	simm.s32 $0xA0;
	s31 =	simm.s32 $0x0  }
0x2f: {  	[tilespmem:s26], [sflag:$0x1] =	stream.indirect.gather [hbm4b:s5+s22], $0x80, s25, s22, $0xb8;
	[tilespmem:$0x1F7C0] =	vst v63  }
.LBB2_4:
0x30: {  	p0 =	sgt.u32 s31, $0x63  }
0x31: {  	s0 =	sand.u32 @!p0 $0xFF, s1  }
0x32: {  	p1 =	sne.s32 @!p0 s0, $0x15  }
0x33: {  	p0 =	por p1, p0  }
0x34: {  	s0 =	simm.s32 @!p0 $0x3  }
0x35: {  	_ =	swait.ge @!p0 [sflag:s0], $0x7D0  }
0x36: {  	[sflag:s0] =	ssyncset.done @!p0 $0x0  }
0x37: {  	[sflag:s0] =	ssyncadd.s32 @!p0 $0xFFFFF830  }
0x38: {  	_ =	swait.ge @!p0 [sflag:s0], $0x7D0  }
0x39: {  	[sflag:s0] =	ssyncset.done @!p0 $0x0  }
0x3a: {  	[sflag:s0] =	ssyncadd.s32 @!p0 $0xFFFFF830  }
.LBB2_5:
0x3b: {  	s31 =	sadd.s32 $0x1, s31  }
0x3c: {  	p0 =	sne.s32 s31, $0x7D  }
.Ltmp3:
0x3d: {  	_ = 	snop;
	(pc) =	sbr.rel @!p0 .LBB2_6-.Ltmp3, $1  }
0x3e: {  	_ =	sdelay $0x3  }
.LBB2_2:
0x3f: {  	s0 =	smul.u32 $0x29, s31;
	_ =	sdelay $0x1  }
0x40: {  	_ =	swait.ge [sflag:s28], $0x2800;
	s17 =	sshrl.u32 s0, $0xA  }
0x41: {  	p1 =	seq.s32 s31, $0x0;
	[sflag:s28] =	ssyncset.done $0x0;
	s0 =	sand.u32 $0x3F, s17  }
0x42: {  	s20 =	simm.s32 @!p1 $0x2;
	[sflag:s28] =	ssyncadd.s32 $0xFFFFD800;
	s1 =	smul.u32 $0x19, s0  }
0x43: {  	p0 =	sgt.u32 s31, $0x79;
	_ =	swait.ge @!p1 [sflag:s20], $0x2800  }
0x44: {  	s25 =	sadd.s32 @!p0 $0x3, s31;
	[sflag:s20] =	ssyncset.done @!p1 $0x0;
	s1 =	ssub.s32 s31, s1  }
0x45: {  	[sflag:s20] =	ssyncadd.s32 @!p1 $0xFFFFD800;
	s20 =	smul.u32 @!p0 $0x29, s25;
	s23 =	sand.u32 $0xFF, s1  }
0x46: {  	s19 =	sand.u32 $0x3, s31;
	s17 =	sand.u32 $0x1, s17;
	s24 =	smul.u32 $0x140, s23  }
0x47: {  	s19 =	smul.u32 $0xA000, s19;
	p1 =	seq.s32 s17, $0x1;
	s17 =	simm.s32 $0x7D0  }
0x48: {  	s17 =	simm.s32 @!p1 $0x0;
	s20 =	sshrl.u32 @!p0 s20, $0xA;
	s24 =	sshrl.u32 s24, $0x2  }
0x49: {  	s19 =	sshrl.u32 s19, $0x2;
	s17 =	sadd.s32 s24, s17;
	s24 =	sand.u32 @!p0 $0x3F, s20  }
0x4a: {  	s19 =	sadd.s32 $0x1F40, s19;
	s17 =	sadd.s32 $0xFA0, s17;
	s24 =	smul.u32 @!p0 $0x19, s24  }
0x4b: {  	[spmem:s3] =	stream.indirect.scatter.add.f32 [tilespmem:s19], [sflag:$0x2], $0x80, s17, s22, $0xb8;
	[tilespmem:$0x1F7C0] =	vst v63  }
0x4c: {  	s19 =	sand.u32 @!p0 $0x3, s25;
	s17 =	ssub.s32 @!p0 s25, s24  }
0x4d: {  	s20 =	sand.u32 @!p0 $0x1, s20;
	s19 =	smul.u32 @!p0 $0xA000, s19;
	s17 =	sand.u32 @!p0 $0xFF, s17  }
0x4e: {  	p1 =	seq.s32 @!p0 s20, $0x1;
	s17 =	smul.u32 @!p0 $0x140, s17  }
0x4f: {  	s20 =	simm.s32 @!p0 $0x7D0;
	p1 =	por !p1, p0  }
0x50: {  	s20 =	simm.s32 @p1 $0x0;
	s19 =	sshrl.u32 @!p0 s19, $0x2;
	s17 =	sshrl.u32 @!p0 s17, $0x2  }
0x51: {  	s19 =	sadd.s32 @!p0 $0x1F40, s19;
	s17 =	sadd.s32 @!p0 s17, s20;
	s20 =	simm.s32 @!p0 $0x50  }
0x52: {  	[tilespmem:s19], [sflag:$0x1] =	stream.indirect.gather @!p0 [hbm4b:s5+s20], $0x80, s17, s20, $0xb8;
	[tilespmem:$0x1F7C0] =	vst v63  }
0x53: {  	p0 =	sne.s32 s23, $0x1;
	s17 =	sadd.s32 $0xFFFFFFFF, s0  }
0x54: {  	p1 =	sgt.u32 @!p0 s17, $0x2  }
0x55: {  	p0 =	por p0, p1  }
.Ltmp4:
0x56: {  	_ = 	snop;
	(pc) =	sbr.rel @p0 .LBB2_4-.Ltmp4, $1  }
0x57: {  	_ =	sdelay $0x3  }
0x58: {  	s0 =	sadd.s32 $0x1, s0  }
0x59: {  	s1 =	smul.u32 $0x19, s0;
	_ =	sdelay $0x1  }
0x5a: {  	s1 =	sand.u32 $0xFF, s1  }
0x5b: {  	s1 =	sadd.s32 s1, s10  }
0x5c: {  	s0 =	sand.u32 $0x1, s0;
	s1 =	smul.u32 $0x50, s1  }
0x5d: {  	p0 =	seq.s32 s0, $0x1  }
.Ltmp5:
0x5e: {  	s0 =	simm.s32 $0x7D0;
	s1 =	sshrl.u32 s1, $0x3;
	(pc) =	sbr.rel .LBB2_5-.Ltmp5, $4  }
0x5f: {  	s0 =	simm.s32 @!p0 $0x0;
	s1 =	sadd.s32 s2, s1  }
0x60: {  	[tilespmem:s0], [sflag:$0x3] =	stream.linear.gather [hbm4b:s1+s4], $0x7D0, $0x38;
	[tilespmem:$0x1F7C0] =	vst v63  }
0x61: {  	s0 =	sadd.s32 $0xFA0, s0;
	s1 =	sadd.s32 $0x9C40, s1  }
0x62: {  	[tilespmem:s0], [sflag:$0x3] =	stream.linear.gather [hbm4b:s1+s4], $0x7D0, $0x38;
	[tilespmem:$0x1F7C0] =	vst v63  }
.LBB2_7:
0x63: {  	_ =	sfence.sel $0x180000  }
0x64: {  	[bflag:$0x0] =	sbarrier.arrive $0xFFFF  }
0x65: {  	_ =	strace $0x9000004A  }
0x66: {  	s0 =	stileid.u32;
	[bflag:$0x2] =	sbarrier.arrive $0xFFFF  }
0x67: {  	p0 =	sne.s32 s0, $0x0;
	s0 =	rddreg [dreg:$0x3]  }
0x68: {  	s0 =	sadd.s32 @!p0 $0x100000, s0  }
0x69: {  	[sflag:s0] =	ssyncadd.tile.s32 @!p0 $0x1;
	_ =	shalt  }
.Lfunc_end2:
_tile_overlayer_lowered:
.L_overlay_start_2:
0x6a: {  	(tag) =	ssettag $0x2  }
0x6b: {  	s0 =	rddreg [dreg:$0x0];
	s2 =	stileid.u32  }
0x6c: {  	s1 =	rddreg [dreg:$0x1];
	p0 =	sne.s32 s2, $0x0  }
0x6d: {  	s3 =	rddreg [dreg:$0x2];
	[bflag:$0x3] =	sbarrier.arrive $0xFFFF;
	s2 =	simm.s32 @!p0 $0x1C04  }
0x6e: {  	[timem:s3], [sflag:s2] =	dma.local @!p0 [hbm:s0], s1  }
0x6f: {  	s0 =	simm.s32 @!p0 $0x4  }
0x70: {  	_ =	swait.ge @!p0 [sflag:s0], s1  }
0x71: {  	s1 =	ssub.s32 @!p0 $0x0, s1;
	[sflag:s0] =	ssyncset.done @!p0 $0x0  }
0x72: {  	[sflag:s0] =	ssyncadd.s32 @!p0 s1  }
0x73: {  	[bflag:$0x3] =	sbarrier.arrive $0xFFFF  }
0x74: {  	_ =	shalt  }

// kernel: kernel.14.cloned.1.call-start
scs
__scs_entry_jumppad:
0x0: {  	(pc) =	sbr.rel $0x88, $3  }
0x1: {  	(tag) =	ssettag $0x0;
	lr =	simm.s32 $0x1  }
0x2: {  	[smem:$0x3F9B] =	sst lr;
	_ =	strace $0xD0000000  }
0x3: {  	_ = 	snop  }
0x4: {  	_ = 	snop  }
0x5: {  	_ = 	snop  }
0x6: {  	_ = 	snop  }
0x7: {  	_ = 	snop  }
__scs_overlays_trampoline_lowered:
0x8: {  	[smem:$0x3FAA] =	sst s0  }
0x9: {  	[smem:$0x3FAB] =	sst s1  }
0xa: {  	[smem:$0x3FAC] =	sst s2  }
0xb: {  	[smem:$0x3FAD] =	sst s3  }
0xc: {  	[smem:$0x3FAE] =	sst s4  }
0xd: {  	[smem:$0x3FAF] =	sst s5  }
0xe: {  	[smem:$0x3FB0] =	sst s6  }
0xf: {  	[smem:$0x3FB1] =	sst s7  }
0x10: {  	[smem:$0x3FB2] =	sst s8  }
0x11: {  	[smem:$0x3FB3] =	sst s9;
	s0 =	simm.s32 @!p0 $0x0  }
0x12: {  	s1 =	sld [smem:$0x3F99];
	s0 =	simm.s32 @p0 $0x1  }
0x13: {  	[smem:$0x3FB4] =	sst s0;
	s0 =	simm.s32 @!p1 $0x0  }
0x14: {  	s2 =	sld [smem:$0x3F98];
	s0 =	simm.s32 @p1 $0x1  }
0x15: {  	[smem:$0x3FB5] =	sst s0;
	s0 =	simm.s32 @!p2 $0x0  }
0x16: {  	s3 =	sld [smem:$0x3FDB];
	s0 =	simm.s32 @p2 $0x1  }
0x17: {  	s4 =	simm.s32 $0x1BF5;
	[smem:$0x3FB7] =	sst s0  }
0x18: {  	s0 =	sld [smem:$0x3F9A];
	_ =	swait.ge [sflag:s4], $0x0  }
0x19: {  	s7 =	sld [smem:$0x3F9B]  }
0x1a: {  	s8 =	sadd.s32 $0xFFFFE003, lr  }
0x1b: {  	s9 =	sadd.s32 $0xFFFFFEF7, lr;
	s5 =	simm.s32 $0xFFFFFFFF;
	p2 =	slt.u32 s8, $0xFFFFF086  }
0x1c: {  	p1 =	slt.u32 s9, $0xF7A;
	s5 =	simm.s32 @!p2 $0x0  }
0x1d: {  	s5 =	simm.s32 @p1 $0x1;
	p0 =	seq.s32 s7, s2  }
0x1e: {  	s7 =	smul.u32 @!p0 $0xF7A, s2;
	p2 =	seq.s32 @!p0 s5, $0x0  }
0x1f: {  	s9 =	smul.u32 $0xF7A, s1;
	s8 =	simm.s32 @!p0 $0x1BF5;
	p2 =	por !p2, p0  }
0x20: {  	[sflag:s8] =	ssyncset.s32 @!p0 $0xFFFFF086;
	s6 =	sadd.s32 @!p0 s3, s7;
	s7 =	simm.s32 @!p0 $0x108  }
0x21: {  	s3 =	sadd.s32 s3, s9;
	s6 =	sadd.s32 @!p0 $0x88, s6;
	s7 =	simm.s32 @p2 $0x1082  }
0x22: {  	[simem:s7], [sflag:s8] =	dma.local @!p0 [hbm:s6], $0xF7A  }
0x23: {  	s9 =	sor.u32 $0xD0000000, s2;
	s6 =	simm.s32 $0x108;
	_ =	swait.ge @!p0 [sflag:s8], $0x0  }
0x24: {  	s3 =	sadd.s32 $0x88, s3;
	s6 =	simm.s32 @!p1 $0x1082;
	[sflag:s4] =	ssyncset.s32 $0xFFFFF086  }
0x25: {  	[simem:s6], [sflag:s4] =	dma.local [hbm:s3], $0xF7A  }
0x26: {  	[smem:$0x3F9B] =	sst s1;
	(tag) =	ssettag s2;
	_ =	strace s9  }
0x27: {  	s1 =	sld [smem:$0x3FAB]  }
0x28: {  	s2 =	sld [smem:$0x3FAC]  }
0x29: {  	s4 =	sld [smem:$0x3FAE]  }
0x2a: {  	p0 =	seq.s32 s5, $0x0;
	s5 =	sld [smem:$0x3FAF]  }
0x2b: {  	s6 =	sld [smem:$0x3FB0]  }
0x2c: {  	s7 =	sld [smem:$0x3FB1]  }
0x2d: {  	s3 =	simm.s32 $0x108;
	s8 =	sld [smem:$0x3FB2]  }
0x2e: {  	s3 =	simm.s32 @!p0 $0x1082;
	s9 =	sld [smem:$0x3FB3]  }
0x2f: {  	lr =	sadd.s32 s0, s3;
	s0 =	sld [smem:$0x3FAA]  }
0x30: {  	s3 =	sld [smem:$0x3FAD]  }
0x31: {  	[smem:$0x3FB6] =	sst s10  }
0x32: {  	s10 =	sld [smem:$0x3FB4];
	_ =	sdelay $0x3  }
0x33: {  	p0 =	seq.s32 s10, $0x1;
	s10 =	sld [smem:$0x3FB6];
	_ =	sdelay $0x3  }
0x34: {  	[smem:$0x3FB6] =	sst s10  }
0x35: {  	s10 =	sld [smem:$0x3FB5];
	_ =	sdelay $0x3  }
0x36: {  	p1 =	seq.s32 s10, $0x1;
	s10 =	sld [smem:$0x3FB6];
	_ =	sdelay $0x3  }
0x37: {  	[smem:$0x3FB6] =	sst s10  }
0x38: {  	s10 =	sld [smem:$0x3FB7]  }
0x39: {  	_ = 	snop;
	(pc) =	sbr.ind lr, $3  }
0x3a: {  	_ = 	snop  }
0x3b: {  	_ = 	snop  }
0x3c: {  	p2 =	seq.s32 s10, $0x1;
	s10 =	sld [smem:$0x3FB6]  }
0x3d: {  	_ =	shalt  }
0x3e: {  	_ =	shalt  }
0x3f: {  	_ =	shalt  }
0x40: {  	_ =	shalt  }
0x41: {  	_ =	shalt  }
0x42: {  	_ =	shalt  }
0x43: {  	_ =	shalt  }
0x44: {  	_ =	shalt  }
0x45: {  	_ =	shalt  }
0x46: {  	_ =	shalt  }
0x47: {  	_ =	shalt  }
0x48: {  	_ =	shalt  }
0x49: {  	_ =	shalt  }
0x4a: {  	_ =	shalt  }
0x4b: {  	_ =	shalt  }
0x4c: {  	_ =	shalt  }
0x4d: {  	_ =	shalt  }
0x4e: {  	_ =	shalt  }
0x4f: {  	_ =	shalt  }
0x50: {  	_ =	shalt  }
0x51: {  	_ =	shalt  }
0x52: {  	_ =	shalt  }
0x53: {  	_ =	shalt  }
0x54: {  	_ =	shalt  }
0x55: {  	_ =	shalt  }
0x56: {  	_ =	shalt  }
0x57: {  	_ =	shalt  }
0x58: {  	_ =	shalt  }
0x59: {  	_ =	shalt  }
0x5a: {  	_ =	shalt  }
0x5b: {  	_ =	shalt  }
0x5c: {  	_ =	shalt  }
0x5d: {  	_ =	shalt  }
0x5e: {  	_ =	shalt  }
0x5f: {  	_ =	shalt  }
0x60: {  	_ =	shalt  }
0x61: {  	_ =	shalt  }
0x62: {  	_ =	shalt  }
0x63: {  	_ =	shalt  }
0x64: {  	_ =	shalt  }
0x65: {  	_ =	shalt  }
0x66: {  	_ =	shalt  }
0x67: {  	_ =	shalt  }
0x68: {  	_ =	shalt  }
0x69: {  	_ =	shalt  }
0x6a: {  	_ =	shalt  }
0x6b: {  	_ =	shalt  }
0x6c: {  	_ =	shalt  }
0x6d: {  	_ =	shalt  }
0x6e: {  	_ =	shalt  }
0x6f: {  	_ =	shalt  }
0x70: {  	_ =	shalt  }
0x71: {  	_ =	shalt  }
0x72: {  	_ =	shalt  }
0x73: {  	_ =	shalt  }
0x74: {  	_ =	shalt  }
0x75: {  	_ =	shalt  }
0x76: {  	_ =	shalt  }
0x77: {  	_ =	shalt  }
0x78: {  	_ =	shalt  }
0x79: {  	_ =	shalt  }
0x7a: {  	_ =	shalt  }
0x7b: {  	_ =	shalt  }
0x7c: {  	_ =	shalt  }
0x7d: {  	_ =	shalt  }
0x7e: {  	_ =	shalt  }
0x7f: {  	_ =	shalt  }
0x80: {  	_ =	shalt  }
0x81: {  	_ =	shalt  }
0x82: {  	_ =	shalt  }
0x83: {  	_ =	shalt  }
0x84: {  	_ =	shalt  }
0x85: {  	_ =	shalt  }
0x86: {  	_ =	shalt  }
0x87: {  	_ =	shalt  }
.Lfunc_end0:
.L_simem_size_0:
called_computation.2_lowered:
.L_overlay_start_0:
0x88: {  	s2 =	sld [smem:$0x3FD9]  }
0x89: {  	s3 =	sld [smem:$0x3FFE];
	_ =	sdelay $0x1  }
0x8a: {  	s1 =	srdreg.scid  }
0x8b: {  	s0 =	sand.u32 $0x1, s1  }
0x8c: {  	s17 =	sshll.u32 s0, $0xA;
	s2 =	sadd.s32 s3, s2  }
0x8d: {  	s2 =	sadd.s32 s2, s17  }
0x8e: {  	[smem:$0x3FC2] =	sst s2  }
0x8f: {  	_ = 	snop  }
0x90: {  	s2 =	sld [smem:$0x3FD0];
	(tm) =	ssettm $0x1  }
0x91: {  	s18 =	sld [smem:$0x3FFB];
	_ =	sdelay $0x3  }
0x92: {  	_ =	strace s18  }
0x93: {  	s3 =	sld [smem:$0x3FFC];
	_ =	sdelay $0x3  }
0x94: {  	_ =	strace s3  }
0x95: {  	s3 =	sld [smem:$0x3FFD];
	_ =	sdelay $0x3  }
0x96: {  	_ =	strace s3  }
0x97: {  	_ =	strace $0x8FFFFFFF  }
0x98: {  	s19 =	sld [smem:$0x3FDB];
	_ =	sdelay $0x1  }
0x99: {  	s4 =	simm.s32 $_scs_section_size  }
0x9a: {  	s5 =	simm.s32 $_size__tile_overlayer_lowered;
	s6 =	simm.s32 $_tile_overlayer_lowered  }
0x9b: {  	s22 =	simm.s32 $0x1BFF;
	s21 =	sshll.u32 s6, $0x1;
	s3 =	sadd.s32 s4, s19  }
0x9c: {  	s7 =	simm.s32 $0x0;
	s20 =	sshll.u32 s5, $0x1;
	s5 =	sadd.s32 s21, s3  }
0x9d: {  	[timem:s7], [sflag:s22] =	dma.local [hbm:s5], s20  }
0x9e: {  	_ =	swait.ge [sflag:s22], s20  }
0x9f: {  	s4 =	ssub.s32 $0x0, s20;
	[sflag:s22] =	ssyncset.done $0x0  }
0xa0: {  	[sflag:s22] =	ssyncadd.s32 s4;
	_ =	sdelay $0x1  }
0xa1: {  	s23 =	simm.s32 $0x1B8B  }
0xa2: {  	_ =	swait.ge [sflag:s23], $0x1  }
0xa3: {  	[sflag:s23] =	ssyncset.done $0x0  }
0xa4: {  	s25 =	simm.s32 $0x1B8E;
	s24 =	sld [smem:$0x3FFE];
	[sflag:s23] =	ssyncadd.s32 $0xFFFFFFFF  }
0xa5: {  	s26 =	simm.s32 $execute0_lowered;
	[smem:$0x3FD2] =	sst s25  }
0xa6: {  	s5 =	sshll.u32 s26, $0x1;
	_ =	strace $0x8000004C;
	[dreg:$0x1] =	wrdreg $0xFFFFFFFF  }
0xa7: {  	s28 =	simm.s32 $_size_execute0_lowered;
	s3 =	sadd.s32 s3, s5;
	[dreg:$0x0] =	wrdreg $0x0  }
0xa8: {  	s5 =	sshll.u32 s28, $0x1;
	[dreg:$0x2] =	wrdreg s3  }
0xa9: {  	[dreg:$0x3] =	wrdreg s5  }
0xaa: {  	[dreg:$0x4] =	wrdreg $0xC0  }
0xab: {  	_ =	task [dreg:s7], $0x5FFFF  }
0xac: {  	[dreg:$0x1] =	wrdreg $0xFFFFFFFF  }
0xad: {  	[dreg:$0x0] =	wrdreg $0x60  }
0xae: {  	[dreg:$0x2] =	wrdreg s24  }
0xaf: {  	[dreg:$0x3] =	wrdreg s2  }
0xb0: {  	[dreg:$0x4] =	wrdreg $0x97400  }
0xb1: {  	[dreg:$0x5] =	wrdreg $0x9  }
0xb2: {  	_ =	task.clear_ibuf [dreg:s7], $0x6FFFF;
	_ =	strace $0x9000004C  }
0xb3: {  	s29 =	simm.s32 $0x9;
	_ =	strace $0x8000004E  }
0xb4: {  	_ =	swait.ge [sflag:s29], $0x1  }
0xb5: {  	[sflag:s29] =	ssyncadd.s32 $0xFFFFFFFF  }
0xb6: {  	_ =	strace $0x9000004E  }
0xb7: {  	_ =	sfence  }
0xb8: {  	s30 =	sld [smem:$0x0];
	_ =	sdelay $0x2  }
0xb9: {  	s31 =	sshll.u32 s1, $0xD;
	s1 =	sshrl.u32 s1, $0x2  }
0xba: {  	s3 =	sand.u32 $0x4000, s31;
	s1 =	sadd.s32 s1, s30  }
0xbb: {  	s0 =	sor.u32 s3, s0;
	s1 =	sshll.u32 s1, $0x11  }
0xbc: {  	s0 =	sor.u32 s1, s0  }
0xbd: {  	s0 =	sadd.s32 $0x8F2B, s0  }
0xbe: {  	[sflag:s0] =	ssyncadd.remote.s32 $0x1  }
0xbf: {  	_ =	sfence.sel $0xFFFF  }
0xc0: {  	[dreg:$0x0] =	wrdreg $0xFFFFFFFF;
	(pc) =	sbr.abs _section_cstart, $3  }
0xc1: {  	[dreg:$0x1] =	wrdreg $0xFFFFFFFF  }
0xc2: {  	_ =	task.clear_ibuf [dreg:s7], $0x2FFFF;
	_ =	strace $0x9FFFFFFF  }
0xc3: {  	(tm) =	ssettm $0x7FFFFFFF  }
tec
execute0_lowered:
.L_overlay_start_1:
0x0: {  	(tag) =	ssettag $0x1  }
0x1: {  	s0 =	rddreg [dreg:$0x0]  }
0x2: {  	s1 =	rddreg [dreg:$0x1]  }
0x3: {  	s2 =	rddreg [dreg:$0x2]  }
0x4: {  	s3 =	srdreg.scid;
	s4 =	simm.s32 $0x0;
	s11 =	stileid.u32  }
0x5: {  	s18 =	simm.s32 $0x3;
	s21 =	simm.s32 $0x2;
	s22 =	simm.s32 $0x50  }
0x6: {  	s17 =	simm.s32 $0x8;
	s19 =	simm.s32 $0x4;
	s7 =	smul.u32 $0x13880, s11  }
0x7: {  	s20 =	simm.s32 $0x0;
	s3 =	sand.u32 $0x1, s3;
	s28 =	smul.u32 $0x27100, s11  }
0x8: {  	[smem:$0x7FF] =	sst s4;
	s5 =	sadd.s32 $0x2600, s0;
	s6 =	smul.u32 $0x138800, s3  }
0x9: {  	_ =	strace $0x8000004D;
	s8 =	sshll.u32 s3, $0x4;
	s3 =	ssub.s32 $0x2, s3  }
0xa: {  	s10 =	sor.u32 s11, s8;
	s30 =	sshrl.u32 s3, $0x1;
	s6 =	sadd.s32 s7, s6  }
0xb: {  	s9 =	smul.u32 $0x2710, s10;
	s3 =	ssub.s32 s3, s30;
	s7 =	sshrl.u32 s28, $0x2  }
0xc: {  	s10 =	smul.u32 $0x7D, s10;
	s29 =	sshrl.u32 s6, $0x3;
	s6 =	sadd.s32 $0x16000, s0  }
.Ltmp0:
0xd: {  	s16 =	sadd.s32 s7, s2;
	s7 =	sshll.u32 s11, $0x6;
	(pc) =	sbr.rel .LBB2_1-.Ltmp0, $4  }
0xe: {  	s15 =	smax.u32 s3, $0x1;
	s3 =	simm.s32 $0x10;
	s0 =	sadd.s32 s29, s0  }
0xf: {  	s31 =	sshrl.u32 s9, $0x3;
	s9 =	sor.u32 $0x1C02, s7;
	s16 =	sshrl.u32 s16, $0x3  }
0x10: {  	s8 =	sadd.s32 s1, s31;
	s14 =	sadd.s32 $0x17400, s0;
	s0 =	simm.s32 $0x1  }
0x11: {  	s11 =	sadd.s32 $0x9C40, s8;
	s12 =	sadd.s32 $0xFA, s8;
	s13 =	sadd.s32 $0x9D3A, s8  }
.LBB2_6:
0x12: {  	_ =	swait.ge [sflag:s21], $0x1400  }
0x13: {  	s20 =	sadd.s32 $0x1, s20;
	[sflag:s21] =	ssyncset.done $0x0  }
0x14: {  	p0 =	sne.s32 s20, s15;
	[sflag:s21] =	ssyncadd.s32 $0xFFFFEC00  }
.Ltmp1:
0x15: {  	s23 =	sor.u32 $0x1C04, s7;
	[bflag:$0x0] =	sbarrier.arrive $0xFFFF;
	(pc) =	sbr.rel @!p0 .LBB2_7-.Ltmp1, $4  }
0x16: {  	[hbm:s14@s3], [sflag:s23] =	dma.strided [spmem:s16@s17], $0x1388, s0, $0x8   }
0x17: {  	_ =	swait.ge [sflag:s19], $0x1388  }
0x18: {  	[sflag:s19] =	ssyncset.done $0x0  }
0x19: {  	[sflag:s19] =	ssyncadd.s32 $0xFFFFEC78  }
.LBB2_1:
0x1a: {  	[spmem:s16], [sflag:s9] =	dma.local [hbm:s6], $0x1388  }
0x1b: {  	[tilespmem:s4], [sflag:$0x3] =	stream.linear.gather [hbm4b:s8+s4], $0x7D0, $0x38;
	[tilespmem:$0x13380] =	vst v63  }
0x1c: {  	s23 =	simm.s32 $0xFA0  }
0x1d: {  	[tilespmem:s23], [sflag:$0x3] =	stream.linear.gather [hbm4b:s11+s4], $0x7D0, $0x38;
	[tilespmem:$0x13380] =	vst v63  }
0x1e: {  	_ =	swait.ge [sflag:s18], $0x7D0  }
0x1f: {  	[sflag:s18] =	ssyncset.done $0x0  }
0x20: {  	[sflag:s18] =	ssyncadd.s32 $0xFFFFF830  }
0x21: {  	_ =	swait.ge [sflag:s18], $0x7D0  }
0x22: {  	[sflag:s18] =	ssyncset.done $0x0  }
0x23: {  	s30 =	simm.s32 $0x7D0;
	[sflag:s18] =	ssyncadd.s32 $0xFFFFF830  }
0x24: {  	[tilespmem:s30], [sflag:$0x3] =	stream.linear.gather [hbm4b:s12+s4], $0x7D0, $0x38;
	[tilespmem:$0x13380] =	vst v63  }
0x25: {  	s31 =	simm.s32 $0x1770  }
0x26: {  	[tilespmem:s31], [sflag:$0x3] =	stream.linear.gather [hbm4b:s13+s4], $0x7D0, $0x38;
	[tilespmem:$0x13380] =	vst v63  }
0x27: {  	_ =	swait.ge [sflag:s21], $0x1388  }
0x28: {  	[sflag:s21] =	ssyncset.done $0x0  }
0x29: {  	[sflag:s21] =	ssyncadd.s32 $0xFFFFEC78  }
0x2a: {  	s24 =	simm.s32 $0x1F40;
	[bflag:$0x0] =	sbarrier.arrive $0xFFFF  }
0x2b: {  	[tilespmem:s24], [sflag:$0x1] =	stream.indirect.gather [hbm4b:s5+s22], $0x40, s4, s22, $0xb8;
	[tilespmem:$0x13380] =	vst v63  }
0x2c: {  	s25 =	simm.s32 $0x3340  }
0x2d: {  	[tilespmem:s25], [sflag:$0x1] =	stream.indirect.gather [hbm4b:s5+s22], $0x40, s22, s22, $0xb8;
	[tilespmem:$0x13380] =	vst v63  }
0x2e: {  	s26 =	simm.s32 $0xA0;
	s24 =	simm.s32 $0x4740  }
0x2f: {  	[tilespmem:s24], [sflag:$0x1] =	stream.indirect.gather [hbm4b:s5+s22], $0x40, s26, s22, $0xb8;
	[tilespmem:$0x13380] =	vst v63  }
.Ltmp2:
0x30: {  	_ = 	snop;
	(pc) =	sbr.rel .LBB2_2-.Ltmp2, $4  }
0x31: {  	s28 =	simm.s32 $0xF0;
	s29 =	simm.s32 $0x5B40  }
0x32: {  	[tilespmem:s29], [sflag:$0x1] =	stream.indirect.gather [hbm4b:s5+s22], $0x40, s28, s22, $0xb8;
	[tilespmem:$0x13380] =	vst v63  }
0x33: {  	s23 =	simm.s32 $0x0;
	s30 =	simm.s32 $0x140;
	s31 =	simm.s32 $0x6F40  }
0x34: {  	[tilespmem:s31], [sflag:$0x1] =	stream.indirect.gather [hbm4b:s5+s22], $0x40, s30, s22, $0xb8;
	[tilespmem:$0x13380] =	vst v63  }
.LBB2_4:
0x35: {  	p0 =	sgt.u32 s23, $0x63  }
0x36: {  	s24 =	sand.u32 @!p0 $0xFF, s25  }
0x37: {  	p1 =	sne.s32 @!p0 s24, $0x13  }
0x38: {  	p0 =	por p1, p0  }
0x39: {  	s24 =	simm.s32 @!p0 $0x3  }
0x3a: {  	_ =	swait.ge @!p0 [sflag:s24], $0x7D0  }
0x3b: {  	[sflag:s24] =	ssyncset.done @!p0 $0x0  }
0x3c: {  	[sflag:s24] =	ssyncadd.s32 @!p0 $0xFFFFF830  }
0x3d: {  	_ =	swait.ge @!p0 [sflag:s24], $0x7D0  }
0x3e: {  	[sflag:s24] =	ssyncset.done @!p0 $0x0  }
0x3f: {  	[sflag:s24] =	ssyncadd.s32 @!p0 $0xFFFFF830  }
.LBB2_5:
0x40: {  	s23 =	sadd.s32 $0x1, s23  }
0x41: {  	p0 =	sne.s32 s23, $0x7D  }
.Ltmp3:
0x42: {  	_ = 	snop;
	(pc) =	sbr.rel @!p0 .LBB2_6-.Ltmp3, $1  }
0x43: {  	_ =	sdelay $0x3  }
.LBB2_2:
0x44: {  	s24 =	smul.u32 $0xAB, s23  }
0x45: {  	s25 =	smul.u32 $0x29, s23  }
0x46: {  	s24 =	sshrl.u32 s24, $0xA  }
0x47: {  	s26 =	sshrl.u32 s25, $0xA;
	s24 =	sand.u32 $0x3F, s24  }
0x48: {  	s31 =	smul.u32 $0x6, s24;
	s24 =	sand.u32 $0x3F, s26  }
0x49: {  	s28 =	smul.u32 $0x19, s24  }
0x4a: {  	_ =	swait.ge [sflag:s0], $0x1400;
	p0 =	seq.s32 s23, $0x0;
	s25 =	ssub.s32 s23, s31  }
0x4b: {  	[sflag:s0] =	ssyncset.done $0x0;
	s29 =	sand.u32 $0xFF, s25;
	s25 =	ssub.s32 s23, s28  }
0x4c: {  	[sflag:s0] =	ssyncadd.s32 $0xFFFFEC00;
	s28 =	smul.u32 $0x5000, s29;
	s29 =	sand.u32 $0xFF, s25  }
0x4d: {  	s26 =	sand.u32 $0x1, s26;
	s31 =	simm.s32 @!p0 $0x2;
	s30 =	smul.u32 $0x140, s29  }
0x4e: {  	p1 =	seq.s32 s26, $0x1;
	s26 =	simm.s32 $0x7D0;
	_ =	swait.ge @!p0 [sflag:s31], $0x1400  }
0x4f: {  	s26 =	simm.s32 @!p1 $0x0;
	[sflag:s31] =	ssyncset.done @!p0 $0x0;
	s30 =	sshrl.u32 s30, $0x2  }
0x50: {  	[sflag:s31] =	ssyncadd.s32 @!p0 $0xFFFFEC00;
	s28 =	sshrl.u32 s28, $0x2;
	s26 =	sadd.s32 s30, s26  }
0x51: {  	p0 =	sgt.u32 s23, $0x77;
	s28 =	sadd.s32 $0x1F40, s28;
	s26 =	sadd.s32 $0xFA0, s26  }
0x52: {  	[spmem:s2] =	stream.indirect.scatter.add.f32 [tilespmem:s28], [sflag:$0x2], $0x40, s26, s22, $0xb8;
	[tilespmem:$0x13380] =	vst v63  }
0x53: {  	s26 =	sadd.s32 @!p0 $0x5, s23  }
0x54: {  	s28 =	sand.u32 @!p0 $0xFF, s26  }
0x55: {  	s30 =	smul.u32 @!p0 $0xAB, s28  }
0x56: {  	s28 =	smul.u32 @!p0 $0x29, s28  }
0x57: {  	s30 =	sshrl.u32 @!p0 s30, $0xA  }
0x58: {  	s28 =	sshrl.u32 @!p0 s28, $0xA;
	s30 =	smul.u32 @!p0 $0x6, s30  }
0x59: {  	s31 =	smul.u32 @!p0 $0x19, s28  }
0x5a: {  	s30 =	ssub.s32 @!p0 s26, s30  }
0x5b: {  	s26 =	ssub.s32 @!p0 s26, s31;
	s30 =	sand.u32 @!p0 $0xFF, s30  }
0x5c: {  	s28 =	sand.u32 @!p0 $0x1, s28;
	s26 =	sand.u32 @!p0 $0xFF, s26;
	s30 =	smul.u32 @!p0 $0x5000, s30  }
0x5d: {  	p1 =	seq.s32 @!p0 s28, $0x1;
	s26 =	smul.u32 @!p0 $0x140, s26  }
0x5e: {  	s28 =	simm.s32 @!p0 $0x7D0;
	p1 =	por !p1, p0  }
0x5f: {  	s28 =	simm.s32 @p1 $0x0;
	s30 =	sshrl.u32 @!p0 s30, $0x2;
	s26 =	sshrl.u32 @!p0 s26, $0x2  }
0x60: {  	s30 =	sadd.s32 @!p0 $0x1F40, s30;
	s26 =	sadd.s32 @!p0 s26, s28;
	s28 =	simm.s32 @!p0 $0x50  }
0x61: {  	[tilespmem:s30], [sflag:$0x1] =	stream.indirect.gather @!p0 [hbm4b:s5+s28], $0x40, s26, s28, $0xb8;
	[tilespmem:$0x13380] =	vst v63  }
0x62: {  	p0 =	sne.s32 s29, $0x1;
	s26 =	sadd.s32 $0xFFFFFFFF, s24  }
0x63: {  	p1 =	sgt.u32 @!p0 s26, $0x2  }
0x64: {  	p0 =	por p0, p1  }
.Ltmp4:
0x65: {  	_ = 	snop;
	(pc) =	sbr.rel @p0 .LBB2_4-.Ltmp4, $1  }
0x66: {  	_ =	sdelay $0x3  }
0x67: {  	s24 =	sadd.s32 $0x1, s24  }
0x68: {  	s25 =	smul.u32 $0x19, s24;
	_ =	sdelay $0x1  }
0x69: {  	s25 =	sand.u32 $0xFF, s25  }
0x6a: {  	s25 =	sadd.s32 s25, s10  }
0x6b: {  	s24 =	sand.u32 $0x1, s24;
	s25 =	smul.u32 $0x50, s25  }
0x6c: {  	p0 =	seq.s32 s24, $0x1  }
.Ltmp5:
0x6d: {  	s24 =	simm.s32 $0x7D0;
	s25 =	sshrl.u32 s25, $0x3;
	(pc) =	sbr.rel .LBB2_5-.Ltmp5, $4  }
0x6e: {  	s24 =	simm.s32 @!p0 $0x0;
	s25 =	sadd.s32 s1, s25  }
0x6f: {  	[tilespmem:s24], [sflag:$0x3] =	stream.linear.gather [hbm4b:s25+s4], $0x7D0, $0x38;
	[tilespmem:$0x13380] =	vst v63  }
0x70: {  	s24 =	sadd.s32 $0xFA0, s24;
	s25 =	sadd.s32 $0x9C40, s25  }
0x71: {  	[tilespmem:s24], [sflag:$0x3] =	stream.linear.gather [hbm4b:s25+s4], $0x7D0, $0x38;
	[tilespmem:$0x13380] =	vst v63  }
.LBB2_7:
0x72: {  	_ =	sfence.sel $0x180000  }
0x73: {  	[bflag:$0x0] =	sbarrier.arrive $0xFFFF  }
0x74: {  	_ =	strace $0x9000004D  }
0x75: {  	s0 =	stileid.u32;
	[bflag:$0x2] =	sbarrier.arrive $0xFFFF  }
0x76: {  	p0 =	sne.s32 s0, $0x0;
	s0 =	rddreg [dreg:$0x3]  }
0x77: {  	s0 =	sadd.s32 @!p0 $0x100000, s0  }
0x78: {  	[sflag:s0] =	ssyncadd.tile.s32 @!p0 $0x1;
	_ =	shalt  }
.Lfunc_end2:
_tile_overlayer_lowered:
.L_overlay_start_2:
0x79: {  	(tag) =	ssettag $0x2  }
0x7a: {  	s0 =	rddreg [dreg:$0x0];
	s2 =	stileid.u32  }
0x7b: {  	s1 =	rddreg [dreg:$0x1];
	p0 =	sne.s32 s2, $0x0  }
0x7c: {  	s3 =	rddreg [dreg:$0x2];
	[bflag:$0x3] =	sbarrier.arrive $0xFFFF;
	s2 =	simm.s32 @!p0 $0x1C04  }
0x7d: {  	[timem:s3], [sflag:s2] =	dma.local @!p0 [hbm:s0], s1  }
0x7e: {  	s0 =	simm.s32 @!p0 $0x4  }
0x7f: {  	_ =	swait.ge @!p0 [sflag:s0], s1  }
0x80: {  	s1 =	ssub.s32 @!p0 $0x0, s1;
	[sflag:s0] =	ssyncset.done @!p0 $0x0  }
0x81: {  	[sflag:s0] =	ssyncadd.s32 @!p0 s1  }
0x82: {  	[bflag:$0x3] =	sbarrier.arrive $0xFFFF  }
0x83: {  	_ =	shalt  }

// kernel: kernel.8.cloned.1.call-start
scs
__scs_entry_jumppad:
0x0: {  	(pc) =	sbr.rel $0x88, $3  }
0x1: {  	(tag) =	ssettag $0x0;
	lr =	simm.s32 $0x1  }
0x2: {  	[smem:$0x3F9B] =	sst lr;
	_ =	strace $0xD0000000  }
0x3: {  	_ = 	snop  }
0x4: {  	_ = 	snop  }
0x5: {  	_ = 	snop  }
0x6: {  	_ = 	snop  }
0x7: {  	_ = 	snop  }
__scs_overlays_trampoline_lowered:
0x8: {  	[smem:$0x3FAA] =	sst s0  }
0x9: {  	[smem:$0x3FAB] =	sst s1  }
0xa: {  	[smem:$0x3FAC] =	sst s2  }
0xb: {  	[smem:$0x3FAD] =	sst s3  }
0xc: {  	[smem:$0x3FAE] =	sst s4  }
0xd: {  	[smem:$0x3FAF] =	sst s5  }
0xe: {  	[smem:$0x3FB0] =	sst s6  }
0xf: {  	[smem:$0x3FB1] =	sst s7  }
0x10: {  	[smem:$0x3FB2] =	sst s8  }
0x11: {  	[smem:$0x3FB3] =	sst s9;
	s0 =	simm.s32 @!p0 $0x0  }
0x12: {  	s1 =	sld [smem:$0x3F99];
	s0 =	simm.s32 @p0 $0x1  }
0x13: {  	[smem:$0x3FB4] =	sst s0;
	s0 =	simm.s32 @!p1 $0x0  }
0x14: {  	s2 =	sld [smem:$0x3F98];
	s0 =	simm.s32 @p1 $0x1  }
0x15: {  	[smem:$0x3FB5] =	sst s0;
	s0 =	simm.s32 @!p2 $0x0  }
0x16: {  	s3 =	sld [smem:$0x3FDB];
	s0 =	simm.s32 @p2 $0x1  }
0x17: {  	s4 =	simm.s32 $0x1BF5;
	[smem:$0x3FB7] =	sst s0  }
0x18: {  	s0 =	sld [smem:$0x3F9A];
	_ =	swait.ge [sflag:s4], $0x0  }
0x19: {  	s7 =	sld [smem:$0x3F9B]  }
0x1a: {  	s8 =	sadd.s32 $0xFFFFE003, lr  }
0x1b: {  	s9 =	sadd.s32 $0xFFFFFEF7, lr;
	s5 =	simm.s32 $0xFFFFFFFF;
	p2 =	slt.u32 s8, $0xFFFFF086  }
0x1c: {  	p1 =	slt.u32 s9, $0xF7A;
	s5 =	simm.s32 @!p2 $0x0  }
0x1d: {  	s5 =	simm.s32 @p1 $0x1;
	p0 =	seq.s32 s7, s2  }
0x1e: {  	s7 =	smul.u32 @!p0 $0xF7A, s2;
	p2 =	seq.s32 @!p0 s5, $0x0  }
0x1f: {  	s9 =	smul.u32 $0xF7A, s1;
	s8 =	simm.s32 @!p0 $0x1BF5;
	p2 =	por !p2, p0  }
0x20: {  	[sflag:s8] =	ssyncset.s32 @!p0 $0xFFFFF086;
	s6 =	sadd.s32 @!p0 s3, s7;
	s7 =	simm.s32 @!p0 $0x108  }
0x21: {  	s3 =	sadd.s32 s3, s9;
	s6 =	sadd.s32 @!p0 $0x88, s6;
	s7 =	simm.s32 @p2 $0x1082  }
0x22: {  	[simem:s7], [sflag:s8] =	dma.local @!p0 [hbm:s6], $0xF7A  }
0x23: {  	s9 =	sor.u32 $0xD0000000, s2;
	s6 =	simm.s32 $0x108;
	_ =	swait.ge @!p0 [sflag:s8], $0x0  }
0x24: {  	s3 =	sadd.s32 $0x88, s3;
	s6 =	simm.s32 @!p1 $0x1082;
	[sflag:s4] =	ssyncset.s32 $0xFFFFF086  }
0x25: {  	[simem:s6], [sflag:s4] =	dma.local [hbm:s3], $0xF7A  }
0x26: {  	[smem:$0x3F9B] =	sst s1;
	(tag) =	ssettag s2;
	_ =	strace s9  }
0x27: {  	s1 =	sld [smem:$0x3FAB]  }
0x28: {  	s2 =	sld [smem:$0x3FAC]  }
0x29: {  	s4 =	sld [smem:$0x3FAE]  }
0x2a: {  	p0 =	seq.s32 s5, $0x0;
	s5 =	sld [smem:$0x3FAF]  }
0x2b: {  	s6 =	sld [smem:$0x3FB0]  }
0x2c: {  	s7 =	sld [smem:$0x3FB1]  }
0x2d: {  	s3 =	simm.s32 $0x108;
	s8 =	sld [smem:$0x3FB2]  }
0x2e: {  	s3 =	simm.s32 @!p0 $0x1082;
	s9 =	sld [smem:$0x3FB3]  }
0x2f: {  	lr =	sadd.s32 s0, s3;
	s0 =	sld [smem:$0x3FAA]  }
0x30: {  	s3 =	sld [smem:$0x3FAD]  }
0x31: {  	[smem:$0x3FB6] =	sst s10  }
0x32: {  	s10 =	sld [smem:$0x3FB4];
	_ =	sdelay $0x3  }
0x33: {  	p0 =	seq.s32 s10, $0x1;
	s10 =	sld [smem:$0x3FB6];
	_ =	sdelay $0x3  }
0x34: {  	[smem:$0x3FB6] =	sst s10  }
0x35: {  	s10 =	sld [smem:$0x3FB5];
	_ =	sdelay $0x3  }
0x36: {  	p1 =	seq.s32 s10, $0x1;
	s10 =	sld [smem:$0x3FB6];
	_ =	sdelay $0x3  }
0x37: {  	[smem:$0x3FB6] =	sst s10  }
0x38: {  	s10 =	sld [smem:$0x3FB7]  }
0x39: {  	_ = 	snop;
	(pc) =	sbr.ind lr, $3  }
0x3a: {  	_ = 	snop  }
0x3b: {  	_ = 	snop  }
0x3c: {  	p2 =	seq.s32 s10, $0x1;
	s10 =	sld [smem:$0x3FB6]  }
0x3d: {  	_ =	shalt  }
0x3e: {  	_ =	shalt  }
0x3f: {  	_ =	shalt  }
0x40: {  	_ =	shalt  }
0x41: {  	_ =	shalt  }
0x42: {  	_ =	shalt  }
0x43: {  	_ =	shalt  }
0x44: {  	_ =	shalt  }
0x45: {  	_ =	shalt  }
0x46: {  	_ =	shalt  }
0x47: {  	_ =	shalt  }
0x48: {  	_ =	shalt  }
0x49: {  	_ =	shalt  }
0x4a: {  	_ =	shalt  }
0x4b: {  	_ =	shalt  }
0x4c: {  	_ =	shalt  }
0x4d: {  	_ =	shalt  }
0x4e: {  	_ =	shalt  }
0x4f: {  	_ =	shalt  }
0x50: {  	_ =	shalt  }
0x51: {  	_ =	shalt  }
0x52: {  	_ =	shalt  }
0x53: {  	_ =	shalt  }
0x54: {  	_ =	shalt  }
0x55: {  	_ =	shalt  }
0x56: {  	_ =	shalt  }
0x57: {  	_ =	shalt  }
0x58: {  	_ =	shalt  }
0x59: {  	_ =	shalt  }
0x5a: {  	_ =	shalt  }
0x5b: {  	_ =	shalt  }
0x5c: {  	_ =	shalt  }
0x5d: {  	_ =	shalt  }
0x5e: {  	_ =	shalt  }
0x5f: {  	_ =	shalt  }
0x60: {  	_ =	shalt  }
0x61: {  	_ =	shalt  }
0x62: {  	_ =	shalt  }
0x63: {  	_ =	shalt  }
0x64: {  	_ =	shalt  }
0x65: {  	_ =	shalt  }
0x66: {  	_ =	shalt  }
0x67: {  	_ =	shalt  }
0x68: {  	_ =	shalt  }
0x69: {  	_ =	shalt  }
0x6a: {  	_ =	shalt  }
0x6b: {  	_ =	shalt  }
0x6c: {  	_ =	shalt  }
0x6d: {  	_ =	shalt  }
0x6e: {  	_ =	shalt  }
0x6f: {  	_ =	shalt  }
0x70: {  	_ =	shalt  }
0x71: {  	_ =	shalt  }
0x72: {  	_ =	shalt  }
0x73: {  	_ =	shalt  }
0x74: {  	_ =	shalt  }
0x75: {  	_ =	shalt  }
0x76: {  	_ =	shalt  }
0x77: {  	_ =	shalt  }
0x78: {  	_ =	shalt  }
0x79: {  	_ =	shalt  }
0x7a: {  	_ =	shalt  }
0x7b: {  	_ =	shalt  }
0x7c: {  	_ =	shalt  }
0x7d: {  	_ =	shalt  }
0x7e: {  	_ =	shalt  }
0x7f: {  	_ =	shalt  }
0x80: {  	_ =	shalt  }
0x81: {  	_ =	shalt  }
0x82: {  	_ =	shalt  }
0x83: {  	_ =	shalt  }
0x84: {  	_ =	shalt  }
0x85: {  	_ =	shalt  }
0x86: {  	_ =	shalt  }
0x87: {  	_ =	shalt  }
.Lfunc_end0:
.L_simem_size_0:
called_computation_lowered:
.L_overlay_start_0:
0x88: {  	s2 =	sld [smem:$0x3FD9]  }
0x89: {  	s3 =	sld [smem:$0x3FFE];
	_ =	sdelay $0x1  }
0x8a: {  	s1 =	srdreg.scid  }
0x8b: {  	s0 =	sand.u32 $0x1, s1  }
0x8c: {  	s17 =	sshll.u32 s0, $0xA;
	s2 =	sadd.s32 s3, s2  }
0x8d: {  	s2 =	sadd.s32 s2, s17  }
0x8e: {  	[smem:$0x3FC2] =	sst s2  }
0x8f: {  	_ = 	snop  }
0x90: {  	s2 =	sld [smem:$0x3FD0];
	(tm) =	ssettm $0x1  }
0x91: {  	s18 =	sld [smem:$0x3FFB];
	_ =	sdelay $0x3  }
0x92: {  	_ =	strace s18  }
0x93: {  	s3 =	sld [smem:$0x3FFC];
	_ =	sdelay $0x3  }
0x94: {  	_ =	strace s3  }
0x95: {  	s3 =	sld [smem:$0x3FFD];
	_ =	sdelay $0x3  }
0x96: {  	_ =	strace s3  }
0x97: {  	_ =	strace $0x8FFFFFFF  }
0x98: {  	s19 =	sld [smem:$0x3FDB];
	_ =	sdelay $0x1  }
0x99: {  	s4 =	simm.s32 $_scs_section_size  }
0x9a: {  	s5 =	simm.s32 $_size__tile_overlayer_lowered;
	s6 =	simm.s32 $_tile_overlayer_lowered  }
0x9b: {  	s22 =	simm.s32 $0x1BFF;
	s21 =	sshll.u32 s6, $0x1;
	s3 =	sadd.s32 s4, s19  }
0x9c: {  	s7 =	simm.s32 $0x0;
	s20 =	sshll.u32 s5, $0x1;
	s5 =	sadd.s32 s21, s3  }
0x9d: {  	[timem:s7], [sflag:s22] =	dma.local [hbm:s5], s20  }
0x9e: {  	_ =	swait.ge [sflag:s22], s20  }
0x9f: {  	s4 =	ssub.s32 $0x0, s20;
	[sflag:s22] =	ssyncset.done $0x0  }
0xa0: {  	[sflag:s22] =	ssyncadd.s32 s4;
	_ =	sdelay $0x1  }
0xa1: {  	s23 =	simm.s32 $0x1B8B  }
0xa2: {  	_ =	swait.ge [sflag:s23], $0x1  }
0xa3: {  	[sflag:s23] =	ssyncset.done $0x0  }
0xa4: {  	s25 =	simm.s32 $0x1B8E;
	s24 =	sld [smem:$0x3FFE];
	[sflag:s23] =	ssyncadd.s32 $0xFFFFFFFF  }
0xa5: {  	s26 =	simm.s32 $execute0_lowered;
	[smem:$0x3FD2] =	sst s25  }
0xa6: {  	s5 =	sshll.u32 s26, $0x1;
	_ =	strace $0x80000046;
	[dreg:$0x1] =	wrdreg $0xFFFFFFFF  }
0xa7: {  	s28 =	simm.s32 $_size_execute0_lowered;
	s3 =	sadd.s32 s3, s5;
	[dreg:$0x0] =	wrdreg $0x0  }
0xa8: {  	s5 =	sshll.u32 s28, $0x1;
	[dreg:$0x2] =	wrdreg s3  }
0xa9: {  	[dreg:$0x3] =	wrdreg s5  }
0xaa: {  	[dreg:$0x4] =	wrdreg $0xC0  }
0xab: {  	_ =	task [dreg:s7], $0x5FFFF  }
0xac: {  	[dreg:$0x1] =	wrdreg $0xFFFFFFFF  }
0xad: {  	[dreg:$0x0] =	wrdreg $0x60  }
0xae: {  	[dreg:$0x2] =	wrdreg s2  }
0xaf: {  	[dreg:$0x3] =	wrdreg s24  }
0xb0: {  	[dreg:$0x4] =	wrdreg $0x4E700  }
0xb1: {  	[dreg:$0x5] =	wrdreg $0x50F00  }
0xb2: {  	[dreg:$0x6] =	wrdreg $0x9  }
0xb3: {  	_ =	task.clear_ibuf [dreg:s7], $0x7FFFF;
	_ =	strace $0x90000046  }
0xb4: {  	s29 =	simm.s32 $0x9;
	_ =	strace $0x80000048  }
0xb5: {  	_ =	swait.ge [sflag:s29], $0x1  }
0xb6: {  	[sflag:s29] =	ssyncadd.s32 $0xFFFFFFFF  }
0xb7: {  	_ =	strace $0x90000048  }
0xb8: {  	_ =	sfence  }
0xb9: {  	s30 =	sld [smem:$0x0];
	_ =	sdelay $0x2  }
0xba: {  	s31 =	sshll.u32 s1, $0xD;
	s1 =	sshrl.u32 s1, $0x2  }
0xbb: {  	s3 =	sand.u32 $0x4000, s31;
	s1 =	sadd.s32 s1, s30  }
0xbc: {  	s0 =	sor.u32 s3, s0;
	s1 =	sshll.u32 s1, $0x11  }
0xbd: {  	s0 =	sor.u32 s1, s0  }
0xbe: {  	s0 =	sadd.s32 $0x8F2B, s0  }
0xbf: {  	[sflag:s0] =	ssyncadd.remote.s32 $0x1  }
0xc0: {  	_ =	sfence.sel $0xFFFF  }
0xc1: {  	[dreg:$0x0] =	wrdreg $0xFFFFFFFF;
	(pc) =	sbr.abs _section_cstart, $3  }
0xc2: {  	[dreg:$0x1] =	wrdreg $0xFFFFFFFF  }
0xc3: {  	_ =	task.clear_ibuf [dreg:s7], $0x2FFFF;
	_ =	strace $0x9FFFFFFF  }
0xc4: {  	(tm) =	ssettm $0x7FFFFFFF  }
0xc5: {  	_ =	shalt  }
tec
execute0_lowered:
.L_overlay_start_1:
0x0: {  	(tag) =	ssettag $0x1  }
0x1: {  	s7 =	rddreg [dreg:$0x0]  }
0x2: {  	s5 =	rddreg [dreg:$0x1]  }
0x3: {  	s2 =	rddreg [dreg:$0x2]  }
0x4: {  	s3 =	rddreg [dreg:$0x3]  }
0x5: {  	s0 =	rddreg [dreg:$0x4];
	s1 =	stileid.u32  }
0x6: {  	s6 =	srdreg.scid;
	s4 =	simm.s32 $0x0;
	s16 =	simm.s32 $0x50  }
0x7: {  	s17 =	simm.s32 $0x4E20;
	s18 =	simm.s32 $0x0;
	s8 =	smul.u32 $0x280, s1  }
0x8: {  	s6 =	sand.u32 $0x1, s6;
	[smem:$0x7FF] =	sst s4;
	s30 =	sshll.u32 s1, $0x6  }
0x9: {  	s9 =	smul.u32 $0x2800, s6;
	_ =	strace $0x80000047;
	s11 =	sshll.u32 s6, $0x4  }
0xa: {  	s6 =	ssub.s32 $0x2, s6;
	s10 =	sshrl.u32 s8, $0x3;
	s11 =	sor.u32 s1, s11  }
0xb: {  	s12 =	sshrl.u32 s6, $0x1;
	s14 =	sadd.s32 s8, s2;
	s15 =	sadd.s32 s8, s3  }
0xc: {  	s9 =	sadd.s32 s8, s9;
	s11 =	smul.u32 $0x2710, s11;
	s10 =	sadd.s32 s10, s5  }
0xd: {  	s12 =	ssub.s32 s6, s12;
	s6 =	sor.u32 $0x1C01, s30;
	s9 =	sshrl.u32 s9, $0x3  }
0xe: {  	s13 =	sadd.s32 s9, s5;
	s31 =	sshrl.u32 s11, $0x3;
	s5 =	sadd.s32 $0x2600, s10  }
0xf: {  	s11 =	smax.u32 s12, $0x1;
	s12 =	sshrl.u32 s14, $0x3;
	s14 =	sshrl.u32 s15, $0x3  }
0x10: {  	s15 =	simm.s32 $0x2710;
	s7 =	sadd.s32 s7, s31;
	s9 =	sadd.s32 $0x3600, s13  }
0x11: {  	v0 =	vimm.f32 $1.000000000e+00;
	s10 =	sadd.s32 $0x2C00, s13;
	s13 =	simm.s32 $0x1;
	s8 =	sadd.s32 $0x9C40, s7  }
.LBB2_1:
0x12: {  	[tilespmem:$0x4E20] =	vst v0  }
0x13: {  	[tilespmem:$0x4E30] =	vst v0  }
0x14: {  	[tilespmem:$0x4E40] =	vst v0  }
0x15: {  	[tilespmem:$0x4E50] =	vst v0  }
0x16: {  	[tilespmem:$0x4E60] =	vst v0  }
0x17: {  	[spmem:s12], [sflag:s6] =	dma.local [hbm:s5], $0x50  }
0x18: {  	_ =	swait.ge [sflag:s13], $0x50  }
0x19: {  	[sflag:s13] =	ssyncset.done $0x0  }
0x1a: {  	[sflag:s13] =	ssyncadd.s32 $0xFFFFFFB0  }
0x1b: {  	[spmem:s14], [sflag:s6] =	dma.local [hbm:s5], $0x50  }
0x1c: {  	_ =	swait.ge [sflag:s13], $0x50  }
0x1d: {  	[sflag:s13] =	ssyncset.done $0x0  }
0x1e: {  	[sflag:s13] =	ssyncadd.s32 $0xFFFFFFB0  }
0x1f: {  	[tilespmem:s4], [sflag:$0x1] =	stream.linear.gather [hbm4b:s7+s4], $0x2710, $0x38;
	[tilespmem:$0x5370] =	vst v63  }
0x20: {  	_ =	swait.ge [sflag:s13], $0x2710  }
0x21: {  	[sflag:s13] =	ssyncset.done $0x0  }
0x22: {  	[sflag:s13] =	ssyncadd.s32 $0xFFFFD8F0  }
0x23: {  	[tilespmem:s15], [sflag:$0x1] =	stream.linear.gather [hbm4b:s8+s4], $0x2710, $0x38;
	[tilespmem:$0x5370] =	vst v63  }
0x24: {  	_ =	swait.ge [sflag:s13], $0x2710  }
0x25: {  	[sflag:s13] =	ssyncset.done $0x0  }
0x26: {  	[sflag:s13] =	ssyncadd.s32 $0xFFFFD8F0  }
0x27: {  	s19 =	simm.s32 $0x0;
	[bflag:$0x0] =	sbarrier.arrive $0xFFFF  }
0x28: {  	[spmem:s2] =	stream.indirect.scatter.add.f32 [tilespmem:s17], [sflag:$0x1], $0x1, s19, s16, $0xb8;
	[tilespmem:$0x5370] =	vst v63  }
0x29: {  	_ =	swait.ge [sflag:s13], $0x50  }
0x2a: {  	[sflag:s13] =	ssyncset.done $0x0  }
0x2b: {  	s31 =	simm.s32 $0x2710;
	[sflag:s13] =	ssyncadd.s32 $0xFFFFFFB0  }
0x2c: {  	[spmem:s3] =	stream.indirect.scatter.add.f32 [tilespmem:s17], [sflag:$0x1], $0x1, s31, s16, $0xb8;
	[tilespmem:$0x5370] =	vst v63  }
0x2d: {  	_ =	swait.ge [sflag:s13], $0x50  }
0x2e: {  	s20 =	simm.s32 $0x280;
	s19 =	simm.s32 $0x140;
	[sflag:s13] =	ssyncset.done $0x0  }
.LBB2_2:
0x2f: {  	s21 =	sshra.s32 s19, $0x2  }
0x30: {  	[sflag:s13] =	ssyncadd.s32 $0xFFFFFFB0;
	s19 =	smov.u32 s20;
	s22 =	sadd.s32 $0x140, s20  }
0x31: {  	[spmem:s2] =	stream.indirect.scatter.add.f32 [tilespmem:s17], [sflag:$0x1], $0x1, s21, s16, $0xb8;
	[tilespmem:$0x5370] =	vst v63  }
0x32: {  	p0 =	sne.s32 s20, $0x9B00;
	_ =	swait.ge [sflag:s13], $0x50  }
.Ltmp0:
0x33: {  	[sflag:s13] =	ssyncset.done $0x0;
	(pc) =	sbr.rel @p0 .LBB2_2-.Ltmp0, $4  }
0x34: {  	s20 =	sadd.s32 $0x2710, s21;
	[sflag:s13] =	ssyncadd.s32 $0xFFFFFFB0  }
0x35: {  	[spmem:s3] =	stream.indirect.scatter.add.f32 [tilespmem:s17], [sflag:$0x1], $0x1, s20, s16, $0xb8;
	[tilespmem:$0x5370] =	vst v63  }
0x36: {  	_ =	swait.ge [sflag:s13], $0x50  }
0x37: {  	s20 =	smov.u32 s22;
	[sflag:s13] =	ssyncset.done $0x0  }
0x38: {  	s19 =	sshra.s32 s19, $0x2;
	[sflag:s13] =	ssyncadd.s32 $0xFFFFFFB0  }
0x39: {  	[spmem:s2] =	stream.indirect.scatter.add.f32 [tilespmem:s17], [sflag:$0x1], $0x1, s19, s16, $0xb8;
	[tilespmem:$0x5370] =	vst v63  }
0x3a: {  	_ =	swait.ge [sflag:s13], $0x50  }
0x3b: {  	[sflag:s13] =	ssyncset.done $0x0  }
0x3c: {  	s19 =	sadd.s32 $0x2710, s19;
	[sflag:s13] =	ssyncadd.s32 $0xFFFFFFB0  }
0x3d: {  	[spmem:s3] =	stream.indirect.scatter.add.f32 [tilespmem:s17], [sflag:$0x1], $0x1, s19, s16, $0xb8;
	[tilespmem:$0x5370] =	vst v63  }
0x3e: {  	_ =	swait.ge [sflag:s13], $0x50  }
0x3f: {  	[sflag:s13] =	ssyncset.done $0x0  }
0x40: {  	[sflag:s13] =	ssyncadd.s32 $0xFFFFFFB0  }
0x41: {  	[bflag:$0x0] =	sbarrier.arrive $0xFFFF  }
0x42: {  	[hbm:s9], [sflag:s6] =	dma.local [spmem:s12], $0x50  }
0x43: {  	s18 =	sadd.s32 $0x1, s18;
	_ =	swait.ge [sflag:s13], $0x50  }
0x44: {  	p0 =	sne.s32 s18, s11;
	[sflag:s13] =	ssyncset.done $0x0  }
.Ltmp1:
0x45: {  	[sflag:s13] =	ssyncadd.s32 $0xFFFFFFB0;
	(pc) =	sbr.rel @p0 .LBB2_1-.Ltmp1, $4  }
0x46: {  	[hbm:s10], [sflag:s6] =	dma.local [spmem:s14], $0x50  }
0x47: {  	_ =	swait.ge [sflag:s13], $0x50  }
0x48: {  	[sflag:s13] =	ssyncset.done $0x0  }
0x49: {  	[sflag:s13] =	ssyncadd.s32 $0xFFFFFFB0  }
0x4a: {  	_ =	sfence.sel $0x180000  }
0x4b: {  	[bflag:$0x0] =	sbarrier.arrive $0xFFFF  }
0x4c: {  	p0 =	sne.s32 s1, $0x0;
	_ =	strace $0x90000047  }
0x4d: {  	s0 =	sadd.s32 @!p0 $0x100000, s0;
	[bflag:$0x2] =	sbarrier.arrive $0xFFFF  }
0x4e: {  	[sflag:s0] =	ssyncadd.tile.s32 @!p0 $0x1;
	_ =	shalt  }
.Lfunc_end2:
_tile_overlayer_lowered:
.L_overlay_start_2:
0x4f: {  	(tag) =	ssettag $0x2  }
0x50: {  	s0 =	rddreg [dreg:$0x0];
	s2 =	stileid.u32  }
0x51: {  	s1 =	rddreg [dreg:$0x1];
	p0 =	sne.s32 s2, $0x0  }
0x52: {  	s3 =	rddreg [dreg:$0x2];
	[bflag:$0x3] =	sbarrier.arrive $0xFFFF;
	s2 =	simm.s32 @!p0 $0x1C01  }
0x53: {  	[timem:s3], [sflag:s2] =	dma.local @!p0 [hbm:s0], s1  }
0x54: {  	s0 =	simm.s32 @!p0 $0x1  }
0x55: {  	_ =	swait.ge @!p0 [sflag:s0], s1  }
0x56: {  	s1 =	ssub.s32 @!p0 $0x0, s1;
	[sflag:s0] =	ssyncset.done @!p0 $0x0  }
0x57: {  	[sflag:s0] =	ssyncadd.s32 @!p0 s1  }
0x58: {  	[bflag:$0x3] =	sbarrier.arrive $0xFFFF  }
0x59: {  	_ =	shalt  }

</sc_bundles>
